<compile_context>
chip_gen: v7x
topology: tpu7x:2x2x1
jax: 0.10.2.dev20260603
libtpu: 0.0.44.dev20260713+nightly
codegen_flags: <defaults>
</compile_context>

<pallas_src>
import jax
import jax.numpy as jnp
from jax import lax
from jax.experimental import pallas as pl
from jax.experimental.pallas import tpu as pltpu
from jax.experimental.pallas import tpu_sc as plsc

N = 10000
E = 320000
D_IN = 128
D_OUT = 128

_NC = 2
_NS = 16
_NW = _NC * _NS
_CHUNK = 125
_NCHUNK = (E // _NW) // _CHUNK
_PHASES = 2
_CPP = _NCHUNK // _PHASES
_NPAD = 10240
_RPT = _NPAD // _NS
_ZR = 64

_MM_BLK = 1000


def _merge_mm_body(p_ref, w_ref, o_ref):
    o_ref[...] = jnp.maximum(
        jnp.dot(p_ref[0] + p_ref[1], w_ref[...],
                preferred_element_type=jnp.float32), 0.0)


def _sc_body(feats, cols3, rows3, out, cols_v, rows_v, gbuf0, gbuf1, acc,
             semg0, semg1, sems0, sems1):
    c = lax.axis_index("c")
    s = lax.axis_index("s")
    wid = c * _NS + s

    def _z(t, carry):
        gbuf0[t // 8, pl.ds((t % 8) * 16, 16)] = jnp.zeros((16,), jnp.float32)
        return carry
    lax.fori_loop(0, _ZR * 8, _z, 0)
    row0 = s * _RPT
    for k in range(_RPT // _ZR):
        pltpu.sync_copy(gbuf0.at[pl.ds(0, _ZR)],
                        acc.at[pl.ds(row0 + k * _ZR, _ZR)])
    plsc.subcore_barrier()

    def _edge(i, carry):
        j = 2 * i
        ga = pltpu.async_copy(feats.at[cols_v.at[j]], gbuf0, semg0)
        gb = pltpu.async_copy(feats.at[cols_v.at[j + 1]], gbuf1, semg1)
        ga.wait()
        sa = pltpu.async_copy(gbuf0, acc.at[rows_v.at[j]], sems0, add=True)
        gb.wait()
        sb = pltpu.async_copy(gbuf1, acc.at[rows_v.at[j + 1]], sems1, add=True)
        sa.wait()
        sb.wait()
        return carry

    for p in range(_PHASES):
        pltpu.sync_copy(cols3.at[wid, pl.ds(p * _CPP, _CPP)], cols_v)
        pltpu.sync_copy(rows3.at[wid, pl.ds(p * _CPP, _CPP)], rows_v)
        lax.fori_loop(0, _CPP // 2, _edge, 0)
    plsc.subcore_barrier()

    pltpu.sync_copy(acc.at[pl.ds(row0, _RPT)], out.at[c, pl.ds(row0, _RPT)])


def kernel(features, edge_index, weight):
    edge_index = edge_index.astype(jnp.int32)
    rows3 = edge_index[0].reshape(_NW, _NCHUNK, _CHUNK)
    cols3 = edge_index[1].reshape(_NW, _NCHUNK, _CHUNK)

    partials = pl.kernel(
        _sc_body,
        out_type=jax.ShapeDtypeStruct((_NC, _NPAD, D_OUT), jnp.float32),
        mesh=plsc.VectorSubcoreMesh(core_axis_name="c", subcore_axis_name="s"),
        scratch_types=[
            pltpu.VMEM((_CPP, _CHUNK), jnp.int32),
            pltpu.VMEM((_CPP, _CHUNK), jnp.int32),
            pltpu.VMEM((_CHUNK, D_IN), jnp.float32),
            pltpu.VMEM((_CHUNK, D_IN), jnp.float32),
            pltpu.VMEM_SHARED((_NPAD, D_IN), jnp.float32),
            pltpu.SemaphoreType.DMA,
            pltpu.SemaphoreType.DMA,
            pltpu.SemaphoreType.DMA,
            pltpu.SemaphoreType.DMA,
        ],
    )(features, cols3, rows3)

    return pl.pallas_call(
        _merge_mm_body,
        grid=(N // _MM_BLK,),
        in_specs=[pl.BlockSpec((_NC, _MM_BLK, D_IN), lambda i: (0, i, 0)),
                  pl.BlockSpec((D_IN, D_OUT), lambda i: (0, 0))],
        out_specs=pl.BlockSpec((_MM_BLK, D_OUT), lambda i: (i, 0)),
        out_shape=jax.ShapeDtypeStruct((N, D_OUT), jnp.float32),
    )(partials, weight)

# --- scband reference (transcript-rebuilt; emitter-appended) ---
"""Pipeline reference for scband-gcnlayer-27436251086936 (READ-ONLY COPY).

The authoritative reference and input builder live on the scoring server;
editing this copy changes nothing except your own understanding.
"""

import jax, jax.numpy as jnp
import numpy as np

N = 10000
E = 320000
D_IN = 128
D_OUT = 128


def setup_inputs(seed: int = 0) -> dict:
    key = jax.random.key(seed)
    k1, k2, k3 = jax.random.split(key, 3)
    features = jax.random.normal(k1, (N, D_IN), dtype=jnp.float32)
    edge_index = jax.random.randint(k2, (2, E), 0, N)
    # xavier_uniform init for weight [D_IN, D_OUT]
    a = float(np.sqrt(6.0 / (D_IN + D_OUT)))
    weight = jax.random.uniform(k3, (D_IN, D_OUT), dtype=jnp.float32, minval=-a, maxval=a)
    return {"features": features, "edge_index": edge_index, "weight": weight}


def reference(features, edge_index, weight):
    # support = features @ W
    support = jnp.dot(features, weight)
    # spmm(adj, support): adjacency in COO with rows=edge_index[0], cols=edge_index[1], values=1.0
    rows = edge_index[0]
    cols = edge_index[1]
    msgs = jnp.take(support, cols, axis=0)
    output = jax.ops.segment_sum(msgs, rows, num_segments=N)
    # active=True -> relu
    return jax.nn.relu(output)

if __name__ == "__main__":
    import jax
    _d = setup_inputs()
    print(jax.jit(kernel)(*tuple(_d.values())))

</pallas_src>

<mosaic_0001>
#map = affine_map<(d0, d1) -> (0, 0)>
#map1 = affine_map<(d0, d1) -> (0, 0, 0)>
module attributes {stable_mosaic.version = 14 : i64} {
  func.func @_sc_body(%arg0: i32, %arg1: i32, %arg2: memref<10000x128xf32, #tpu.memory_space<hbm>>, %arg3: memref<32x80x125xi32, #tpu.memory_space<hbm>>, %arg4: memref<32x80x125xi32, #tpu.memory_space<hbm>>, %arg5: memref<2x10240x128xf32, #tpu.memory_space<hbm>>, %arg6: memref<40x125xi32, #tpu.memory_space<vmem>>, %arg7: memref<40x125xi32, #tpu.memory_space<vmem>>, %arg8: memref<125x128xf32, #tpu.memory_space<vmem>>, %arg9: memref<125x128xf32, #tpu.memory_space<vmem>>, %arg10: memref<10240x128xf32, #tpu.memory_space<vmem_shared>>, %arg11: memref<!tpu.dma_semaphore, #tpu.memory_space<semaphore_mem>>, %arg12: memref<!tpu.dma_semaphore, #tpu.memory_space<semaphore_mem>>, %arg13: memref<!tpu.dma_semaphore, #tpu.memory_space<semaphore_mem>>, %arg14: memref<!tpu.dma_semaphore, #tpu.memory_space<semaphore_mem>>) attributes {dimension_semantics = [#tpu.dimension_semantics<core_parallel>, #tpu.dimension_semantics<subcore_parallel>], iteration_bounds = array<i64: 2, 16>, scalar_prefetch = 0 : i64, scratch_operands = 9 : i64, tpu.core_type = #tpu.core_type<sc_vector_subcore>, window_params = [{transform_indices = #map}, {transform_indices = #map1}, {transform_indices = #map1}, {transform_indices = #map1}]} {
    %mul3A = arith.constant 16 : i32
    %mul3A_0 = arith.muli %arg0, %mul3A : i32
    %add3A = arith.addi %mul3A_0, %arg1 : i32
    %scan3A = arith.constant 0 : i32
    %scan3A_1 = arith.constant 0 : i32
    %scan3A_2 = arith.constant 512 : i32
    %scan3A_3 = arith.addi %scan3A_1, %scan3A_2 : i32
    %scan3A_4 = arith.constant 1 : i32
    scf.for %scan3A_41 = %scan3A_1 to %scan3A_3 step %scan3A_4  : i32 {
      %broadcast_in_dim3A = arith.constant 0.000000e+00 : f32
      %broadcast_in_dim3A_42 = vector.broadcast %broadcast_in_dim3A : f32 to vector<16xf32>
      %jit3A = arith.constant 8 : i32
      %div3A = arith.divsi %scan3A_41, %jit3A : i32
      %sign3A = arith.constant 0 : i32
      %sign3A_43 = arith.cmpi sgt, %scan3A_41, %sign3A : i32
      %sign3A_44 = arith.extui %sign3A_43 : i1 to i32
      %sign3A_45 = arith.constant 0 : i32
      %sign3A_46 = arith.cmpi slt, %scan3A_41, %sign3A_45 : i32
      %sign3A_47 = arith.extui %sign3A_46 : i1 to i32
      %sign3A_48 = arith.subi %sign3A_44, %sign3A_47 : i32
      %sign3A_49 = arith.constant 0 : i32
      %sign3A_50 = arith.cmpi sgt, %jit3A, %sign3A_49 : i32
      %sign3A_51 = arith.extui %sign3A_50 : i1 to i32
      %sign3A_52 = arith.constant 0 : i32
      %sign3A_53 = arith.cmpi slt, %jit3A, %sign3A_52 : i32
      %sign3A_54 = arith.extui %sign3A_53 : i1 to i32
      %sign3A_55 = arith.subi %sign3A_51, %sign3A_54 : i32
      %ne3A = arith.cmpi ne, %sign3A_48, %sign3A_55 : i32
      %rem3A = arith.remsi %scan3A_41, %jit3A : i32
      %ne3A_56 = arith.constant 0 : i32
      %ne3A_57 = arith.cmpi ne, %rem3A, %ne3A_56 : i32
      %and3A = arith.andi %ne3A, %ne3A_57 : i1
      %sub3A = arith.constant 1 : i32
      %sub3A_58 = arith.subi %div3A, %sub3A : i32
      %select_n3A = arith.select %and3A, %sub3A_58, %div3A : i32
      %jit3A_59 = arith.constant 8 : i32
      %eq3A = arith.constant 0 : i32
      %eq3A_60 = arith.cmpi eq, %jit3A_59, %eq3A : i32
      %jit3A_61 = arith.constant 1 : i32
      %select_n3A_62 = arith.select %eq3A_60, %jit3A_61, %jit3A_59 : i32
      %rem3A_63 = arith.remsi %scan3A_41, %select_n3A_62 : i32
      %ne3A_64 = arith.constant 0 : i32
      %ne3A_65 = arith.cmpi ne, %rem3A_63, %ne3A_64 : i32
      %lt3A = arith.constant 0 : i32
      %lt3A_66 = arith.cmpi slt, %rem3A_63, %lt3A : i32
      %lt3A_67 = arith.constant 0 : i32
      %lt3A_68 = arith.cmpi slt, %select_n3A_62, %lt3A_67 : i32
      %ne3A_69 = arith.xori %lt3A_66, %lt3A_68 : i1
      %and3A_70 = arith.andi %ne3A_69, %ne3A_65 : i1
      %add3A_71 = arith.addi %rem3A_63, %select_n3A_62 : i32
      %select_n3A_72 = arith.select %and3A_70, %add3A_71, %rem3A_63 : i32
      %mul3A_73 = arith.constant 16 : i32
      %mul3A_74 = arith.muli %select_n3A_72, %mul3A_73 : i32
      %swap3A = arith.index_cast %select_n3A : i32 to index
      %swap3A_75 = arith.index_cast %mul3A_74 : i32 to index
      %swap3A_76 = tpu.vector_load %arg8[%swap3A, %swap3A_75] {strides = array<i32>} : memref<125x128xf32, #tpu.memory_space<vmem>>, vector<1x16xf32>,
      %swap3A_77 = vector.shape_cast %swap3A_76 : vector<1x16xf32> to vector<16xf32>
      %swap3A_78 = vector.shape_cast %broadcast_in_dim3A_42 : vector<16xf32> to vector<1x16xf32>
      tpu.vector_store %arg8[%swap3A, %swap3A_75], %swap3A_78 {strides = array<i32>} : memref<125x128xf32, #tpu.memory_space<vmem>>, vector<1x16xf32>,
    }
    %scan3A_5 = arith.constant 512 : i32
    %mul3A_6 = arith.constant 640 : i32
    %mul3A_7 = arith.muli %arg1, %mul3A_6 : i32
    %add3A_8 = arith.constant 0 : i32
    %add3A_9 = arith.addi %mul3A_7, %add3A_8 : i32
    "tpu.region"() ({
      %run_scoped3A = tpu.sem_alloc : memref<!tpu.dma_semaphore, #tpu.memory_space<semaphore_mem>>
      %dma_start3A = arith.constant 0 : i32
      %dma_start3A_41 = arith.constant 0 : i32
      %dma_start3A_42 = tpu.memref_slice %arg8[%dma_start3A, %dma_start3A_41] : memref<125x128xf32, #tpu.memory_space<vmem>> -> memref<64x128xf32, #tpu.memory_space<vmem>>
      %dma_start3A_43 = arith.constant 0 : i32
      %dma_start3A_44 = tpu.memref_slice %arg10[%add3A_9, %dma_start3A_43] : memref<10240x128xf32, #tpu.memory_space<vmem_shared>> -> memref<64x128xf32, #tpu.memory_space<vmem_shared>>
      %dma_start3A_45 = arith.constant 0 : i32
      %dma_start3A_46 = tpu.memref_slice %arg10[%add3A_9, %dma_start3A_45] : memref<10240x128xf32, #tpu.memory_space<vmem_shared>> -> memref<64x128xf32, #tpu.memory_space<vmem_shared>>
      %dma_start3A_47 = arith.constant 0 : i32
      %dma_start3A_48 = arith.constant 0 : i32
      %dma_start3A_49 = tpu.memref_slice %arg8[%dma_start3A_47, %dma_start3A_48] : memref<125x128xf32, #tpu.memory_space<vmem>> -> memref<64x128xf32, #tpu.memory_space<vmem>>
      tpu.enqueue_dma source(%dma_start3A_49 : memref<64x128xf32, #tpu.memory_space<vmem>>) target(%dma_start3A_46 : memref<64x128xf32, #tpu.memory_space<vmem_shared>>) target_semaphore(%run_scoped3A : memref<!tpu.dma_semaphore, #tpu.memory_space<semaphore_mem>>)
      %dma_wait3A = arith.constant 0 : i32
      %dma_wait3A_50 = arith.constant 0 : i32
      %dma_wait3A_51 = tpu.memref_slice %arg8[%dma_wait3A, %dma_wait3A_50] : memref<125x128xf32, #tpu.memory_space<vmem>> -> memref<64x128xf32, #tpu.memory_space<vmem>>
      %dma_wait3A_52 = arith.constant 0 : i32
      %dma_wait3A_53 = tpu.memref_slice %arg10[%add3A_9, %dma_wait3A_52] : memref<10240x128xf32, #tpu.memory_space<vmem_shared>> -> memref<64x128xf32, #tpu.memory_space<vmem_shared>>
      %dma_wait3A_54 = arith.constant 0 : i32
      %dma_wait3A_55 = tpu.memref_slice %arg10[%add3A_9, %dma_wait3A_54] : memref<10240x128xf32, #tpu.memory_space<vmem_shared>> -> memref<64x128xf32, #tpu.memory_space<vmem_shared>>
      %dma_wait3A_56 = arith.constant 0 : i32
      %dma_wait3A_57 = arith.constant 0 : i32
      %dma_wait3A_58 = tpu.memref_slice %arg8[%dma_wait3A_56, %dma_wait3A_57] : memref<125x128xf32, #tpu.memory_space<vmem>> -> memref<64x128xf32, #tpu.memory_space<vmem>>
      tpu.wait_dma2 semaphore(%run_scoped3A : memref<!tpu.dma_semaphore, #tpu.memory_space<semaphore_mem>>) src(%dma_wait3A_58 : memref<64x128xf32, #tpu.memory_space<vmem>>) dst(%dma_wait3A_55 : memref<64x128xf32, #tpu.memory_space<vmem_shared>>)
      tpu.yield
    }) : () -> ()
    %add3A_10 = arith.constant 64 : i32
    %add3A_11 = arith.addi %mul3A_7, %add3A_10 : i32
    "tpu.region"() ({
      %run_scoped3A = tpu.sem_alloc : memref<!tpu.dma_semaphore, #tpu.memory_space<semaphore_mem>>
      %dma_start3A = arith.constant 0 : i32
      %dma_start3A_41 = arith.constant 0 : i32
      %dma_start3A_42 = tpu.memref_slice %arg8[%dma_start3A, %dma_start3A_41] : memref<125x128xf32, #tpu.memory_space<vmem>> -> memref<64x128xf32, #tpu.memory_space<vmem>>
      %dma_start3A_43 = arith.constant 0 : i32
      %dma_start3A_44 = tpu.memref_slice %arg10[%add3A_11, %dma_start3A_43] : memref<10240x128xf32, #tpu.memory_space<vmem_shared>> -> memref<64x128xf32, #tpu.memory_space<vmem_shared>>
      %dma_start3A_45 = arith.constant 0 : i32
      %dma_start3A_46 = tpu.memref_slice %arg10[%add3A_11, %dma_start3A_45] : memref<10240x128xf32, #tpu.memory_space<vmem_shared>> -> memref<64x128xf32, #tpu.memory_space<vmem_shared>>
      %dma_start3A_47 = arith.constant 0 : i32
      %dma_start3A_48 = arith.constant 0 : i32
      %dma_start3A_49 = tpu.memref_slice %arg8[%dma_start3A_47, %dma_start3A_48] : memref<125x128xf32, #tpu.memory_space<vmem>> -> memref<64x128xf32, #tpu.memory_space<vmem>>
      tpu.enqueue_dma source(%dma_start3A_49 : memref<64x128xf32, #tpu.memory_space<vmem>>) target(%dma_start3A_46 : memref<64x128xf32, #tpu.memory_space<vmem_shared>>) target_semaphore(%run_scoped3A : memref<!tpu.dma_semaphore, #tpu.memory_space<semaphore_mem>>)
      %dma_wait3A = arith.constant 0 : i32
      %dma_wait3A_50 = arith.constant 0 : i32
      %dma_wait3A_51 = tpu.memref_slice %arg8[%dma_wait3A, %dma_wait3A_50] : memref<125x128xf32, #tpu.memory_space<vmem>> -> memref<64x128xf32, #tpu.memory_space<vmem>>
      %dma_wait3A_52 = arith.constant 0 : i32
      %dma_wait3A_53 = tpu.memref_slice %arg10[%add3A_11, %dma_wait3A_52] : memref<10240x128xf32, #tpu.memory_space<vmem_shared>> -> memref<64x128xf32, #tpu.memory_space<vmem_shared>>
      %dma_wait3A_54 = arith.constant 0 : i32
      %dma_wait3A_55 = tpu.memref_slice %arg10[%add3A_11, %dma_wait3A_54] : memref<10240x128xf32, #tpu.memory_space<vmem_shared>> -> memref<64x128xf32, #tpu.memory_space<vmem_shared>>
      %dma_wait3A_56 = arith.constant 0 : i32
      %dma_wait3A_57 = arith.constant 0 : i32
      %dma_wait3A_58 = tpu.memref_slice %arg8[%dma_wait3A_56, %dma_wait3A_57] : memref<125x128xf32, #tpu.memory_space<vmem>> -> memref<64x128xf32, #tpu.memory_space<vmem>>
      tpu.wait_dma2 semaphore(%run_scoped3A : memref<!tpu.dma_semaphore, #tpu.memory_space<semaphore_mem>>) src(%dma_wait3A_58 : memref<64x128xf32, #tpu.memory_space<vmem>>) dst(%dma_wait3A_55 : memref<64x128xf32, #tpu.memory_space<vmem_shared>>)
      tpu.yield
    }) : () -> ()
    %add3A_12 = arith.constant 128 : i32
    %add3A_13 = arith.addi %mul3A_7, %add3A_12 : i32
    "tpu.region"() ({
      %run_scoped3A = tpu.sem_alloc : memref<!tpu.dma_semaphore, #tpu.memory_space<semaphore_mem>>
      %dma_start3A = arith.constant 0 : i32
      %dma_start3A_41 = arith.constant 0 : i32
      %dma_start3A_42 = tpu.memref_slice %arg8[%dma_start3A, %dma_start3A_41] : memref<125x128xf32, #tpu.memory_space<vmem>> -> memref<64x128xf32, #tpu.memory_space<vmem>>
      %dma_start3A_43 = arith.constant 0 : i32
      %dma_start3A_44 = tpu.memref_slice %arg10[%add3A_13, %dma_start3A_43] : memref<10240x128xf32, #tpu.memory_space<vmem_shared>> -> memref<64x128xf32, #tpu.memory_space<vmem_shared>>
      %dma_start3A_45 = arith.constant 0 : i32
      %dma_start3A_46 = tpu.memref_slice %arg10[%add3A_13, %dma_start3A_45] : memref<10240x128xf32, #tpu.memory_space<vmem_shared>> -> memref<64x128xf32, #tpu.memory_space<vmem_shared>>
      %dma_start3A_47 = arith.constant 0 : i32
      %dma_start3A_48 = arith.constant 0 : i32
      %dma_start3A_49 = tpu.memref_slice %arg8[%dma_start3A_47, %dma_start3A_48] : memref<125x128xf32, #tpu.memory_space<vmem>> -> memref<64x128xf32, #tpu.memory_space<vmem>>
      tpu.enqueue_dma source(%dma_start3A_49 : memref<64x128xf32, #tpu.memory_space<vmem>>) target(%dma_start3A_46 : memref<64x128xf32, #tpu.memory_space<vmem_shared>>) target_semaphore(%run_scoped3A : memref<!tpu.dma_semaphore, #tpu.memory_space<semaphore_mem>>)
      %dma_wait3A = arith.constant 0 : i32
      %dma_wait3A_50 = arith.constant 0 : i32
      %dma_wait3A_51 = tpu.memref_slice %arg8[%dma_wait3A, %dma_wait3A_50] : memref<125x128xf32, #tpu.memory_space<vmem>> -> memref<64x128xf32, #tpu.memory_space<vmem>>
      %dma_wait3A_52 = arith.constant 0 : i32
      %dma_wait3A_53 = tpu.memref_slice %arg10[%add3A_13, %dma_wait3A_52] : memref<10240x128xf32, #tpu.memory_space<vmem_shared>> -> memref<64x128xf32, #tpu.memory_space<vmem_shared>>
      %dma_wait3A_54 = arith.constant 0 : i32
      %dma_wait3A_55 = tpu.memref_slice %arg10[%add3A_13, %dma_wait3A_54] : memref<10240x128xf32, #tpu.memory_space<vmem_shared>> -> memref<64x128xf32, #tpu.memory_space<vmem_shared>>
      %dma_wait3A_56 = arith.constant 0 : i32
      %dma_wait3A_57 = arith.constant 0 : i32
      %dma_wait3A_58 = tpu.memref_slice %arg8[%dma_wait3A_56, %dma_wait3A_57] : memref<125x128xf32, #tpu.memory_space<vmem>> -> memref<64x128xf32, #tpu.memory_space<vmem>>
      tpu.wait_dma2 semaphore(%run_scoped3A : memref<!tpu.dma_semaphore, #tpu.memory_space<semaphore_mem>>) src(%dma_wait3A_58 : memref<64x128xf32, #tpu.memory_space<vmem>>) dst(%dma_wait3A_55 : memref<64x128xf32, #tpu.memory_space<vmem_shared>>)
      tpu.yield
    }) : () -> ()
    %add3A_14 = arith.constant 192 : i32
    %add3A_15 = arith.addi %mul3A_7, %add3A_14 : i32
    "tpu.region"() ({
      %run_scoped3A = tpu.sem_alloc : memref<!tpu.dma_semaphore, #tpu.memory_space<semaphore_mem>>
      %dma_start3A = arith.constant 0 : i32
      %dma_start3A_41 = arith.constant 0 : i32
      %dma_start3A_42 = tpu.memref_slice %arg8[%dma_start3A, %dma_start3A_41] : memref<125x128xf32, #tpu.memory_space<vmem>> -> memref<64x128xf32, #tpu.memory_space<vmem>>
      %dma_start3A_43 = arith.constant 0 : i32
      %dma_start3A_44 = tpu.memref_slice %arg10[%add3A_15, %dma_start3A_43] : memref<10240x128xf32, #tpu.memory_space<vmem_shared>> -> memref<64x128xf32, #tpu.memory_space<vmem_shared>>
      %dma_start3A_45 = arith.constant 0 : i32
      %dma_start3A_46 = tpu.memref_slice %arg10[%add3A_15, %dma_start3A_45] : memref<10240x128xf32, #tpu.memory_space<vmem_shared>> -> memref<64x128xf32, #tpu.memory_space<vmem_shared>>
      %dma_start3A_47 = arith.constant 0 : i32
      %dma_start3A_48 = arith.constant 0 : i32
      %dma_start3A_49 = tpu.memref_slice %arg8[%dma_start3A_47, %dma_start3A_48] : memref<125x128xf32, #tpu.memory_space<vmem>> -> memref<64x128xf32, #tpu.memory_space<vmem>>
      tpu.enqueue_dma source(%dma_start3A_49 : memref<64x128xf32, #tpu.memory_space<vmem>>) target(%dma_start3A_46 : memref<64x128xf32, #tpu.memory_space<vmem_shared>>) target_semaphore(%run_scoped3A : memref<!tpu.dma_semaphore, #tpu.memory_space<semaphore_mem>>)
      %dma_wait3A = arith.constant 0 : i32
      %dma_wait3A_50 = arith.constant 0 : i32
      %dma_wait3A_51 = tpu.memref_slice %arg8[%dma_wait3A, %dma_wait3A_50] : memref<125x128xf32, #tpu.memory_space<vmem>> -> memref<64x128xf32, #tpu.memory_space<vmem>>
      %dma_wait3A_52 = arith.constant 0 : i32
      %dma_wait3A_53 = tpu.memref_slice %arg10[%add3A_15, %dma_wait3A_52] : memref<10240x128xf32, #tpu.memory_space<vmem_shared>> -> memref<64x128xf32, #tpu.memory_space<vmem_shared>>
      %dma_wait3A_54 = arith.constant 0 : i32
      %dma_wait3A_55 = tpu.memref_slice %arg10[%add3A_15, %dma_wait3A_54] : memref<10240x128xf32, #tpu.memory_space<vmem_shared>> -> memref<64x128xf32, #tpu.memory_space<vmem_shared>>
      %dma_wait3A_56 = arith.constant 0 : i32
      %dma_wait3A_57 = arith.constant 0 : i32
      %dma_wait3A_58 = tpu.memref_slice %arg8[%dma_wait3A_56, %dma_wait3A_57] : memref<125x128xf32, #tpu.memory_space<vmem>> -> memref<64x128xf32, #tpu.memory_space<vmem>>
      tpu.wait_dma2 semaphore(%run_scoped3A : memref<!tpu.dma_semaphore, #tpu.memory_space<semaphore_mem>>) src(%dma_wait3A_58 : memref<64x128xf32, #tpu.memory_space<vmem>>) dst(%dma_wait3A_55 : memref<64x128xf32, #tpu.memory_space<vmem_shared>>)
      tpu.yield
    }) : () -> ()
    %add3A_16 = arith.constant 256 : i32
    %add3A_17 = arith.addi %mul3A_7, %add3A_16 : i32
    "tpu.region"() ({
      %run_scoped3A = tpu.sem_alloc : memref<!tpu.dma_semaphore, #tpu.memory_space<semaphore_mem>>
      %dma_start3A = arith.constant 0 : i32
      %dma_start3A_41 = arith.constant 0 : i32
      %dma_start3A_42 = tpu.memref_slice %arg8[%dma_start3A, %dma_start3A_41] : memref<125x128xf32, #tpu.memory_space<vmem>> -> memref<64x128xf32, #tpu.memory_space<vmem>>
      %dma_start3A_43 = arith.constant 0 : i32
      %dma_start3A_44 = tpu.memref_slice %arg10[%add3A_17, %dma_start3A_43] : memref<10240x128xf32, #tpu.memory_space<vmem_shared>> -> memref<64x128xf32, #tpu.memory_space<vmem_shared>>
      %dma_start3A_45 = arith.constant 0 : i32
      %dma_start3A_46 = tpu.memref_slice %arg10[%add3A_17, %dma_start3A_45] : memref<10240x128xf32, #tpu.memory_space<vmem_shared>> -> memref<64x128xf32, #tpu.memory_space<vmem_shared>>
      %dma_start3A_47 = arith.constant 0 : i32
      %dma_start3A_48 = arith.constant 0 : i32
      %dma_start3A_49 = tpu.memref_slice %arg8[%dma_start3A_47, %dma_start3A_48] : memref<125x128xf32, #tpu.memory_space<vmem>> -> memref<64x128xf32, #tpu.memory_space<vmem>>
      tpu.enqueue_dma source(%dma_start3A_49 : memref<64x128xf32, #tpu.memory_space<vmem>>) target(%dma_start3A_46 : memref<64x128xf32, #tpu.memory_space<vmem_shared>>) target_semaphore(%run_scoped3A : memref<!tpu.dma_semaphore, #tpu.memory_space<semaphore_mem>>)
      %dma_wait3A = arith.constant 0 : i32
      %dma_wait3A_50 = arith.constant 0 : i32
      %dma_wait3A_51 = tpu.memref_slice %arg8[%dma_wait3A, %dma_wait3A_50] : memref<125x128xf32, #tpu.memory_space<vmem>> -> memref<64x128xf32, #tpu.memory_space<vmem>>
      %dma_wait3A_52 = arith.constant 0 : i32
      %dma_wait3A_53 = tpu.memref_slice %arg10[%add3A_17, %dma_wait3A_52] : memref<10240x128xf32, #tpu.memory_space<vmem_shared>> -> memref<64x128xf32, #tpu.memory_space<vmem_shared>>
      %dma_wait3A_54 = arith.constant 0 : i32
      %dma_wait3A_55 = tpu.memref_slice %arg10[%add3A_17, %dma_wait3A_54] : memref<10240x128xf32, #tpu.memory_space<vmem_shared>> -> memref<64x128xf32, #tpu.memory_space<vmem_shared>>
      %dma_wait3A_56 = arith.constant 0 : i32
      %dma_wait3A_57 = arith.constant 0 : i32
      %dma_wait3A_58 = tpu.memref_slice %arg8[%dma_wait3A_56, %dma_wait3A_57] : memref<125x128xf32, #tpu.memory_space<vmem>> -> memref<64x128xf32, #tpu.memory_space<vmem>>
      tpu.wait_dma2 semaphore(%run_scoped3A : memref<!tpu.dma_semaphore, #tpu.memory_space<semaphore_mem>>) src(%dma_wait3A_58 : memref<64x128xf32, #tpu.memory_space<vmem>>) dst(%dma_wait3A_55 : memref<64x128xf32, #tpu.memory_space<vmem_shared>>)
      tpu.yield
    }) : () -> ()
    %add3A_18 = arith.constant 320 : i32
    %add3A_19 = arith.addi %mul3A_7, %add3A_18 : i32
    "tpu.region"() ({
      %run_scoped3A = tpu.sem_alloc : memref<!tpu.dma_semaphore, #tpu.memory_space<semaphore_mem>>
      %dma_start3A = arith.constant 0 : i32
      %dma_start3A_41 = arith.constant 0 : i32
      %dma_start3A_42 = tpu.memref_slice %arg8[%dma_start3A, %dma_start3A_41] : memref<125x128xf32, #tpu.memory_space<vmem>> -> memref<64x128xf32, #tpu.memory_space<vmem>>
      %dma_start3A_43 = arith.constant 0 : i32
      %dma_start3A_44 = tpu.memref_slice %arg10[%add3A_19, %dma_start3A_43] : memref<10240x128xf32, #tpu.memory_space<vmem_shared>> -> memref<64x128xf32, #tpu.memory_space<vmem_shared>>
      %dma_start3A_45 = arith.constant 0 : i32
      %dma_start3A_46 = tpu.memref_slice %arg10[%add3A_19, %dma_start3A_45] : memref<10240x128xf32, #tpu.memory_space<vmem_shared>> -> memref<64x128xf32, #tpu.memory_space<vmem_shared>>
      %dma_start3A_47 = arith.constant 0 : i32
      %dma_start3A_48 = arith.constant 0 : i32
      %dma_start3A_49 = tpu.memref_slice %arg8[%dma_start3A_47, %dma_start3A_48] : memref<125x128xf32, #tpu.memory_space<vmem>> -> memref<64x128xf32, #tpu.memory_space<vmem>>
      tpu.enqueue_dma source(%dma_start3A_49 : memref<64x128xf32, #tpu.memory_space<vmem>>) target(%dma_start3A_46 : memref<64x128xf32, #tpu.memory_space<vmem_shared>>) target_semaphore(%run_scoped3A : memref<!tpu.dma_semaphore, #tpu.memory_space<semaphore_mem>>)
      %dma_wait3A = arith.constant 0 : i32
      %dma_wait3A_50 = arith.constant 0 : i32
      %dma_wait3A_51 = tpu.memref_slice %arg8[%dma_wait3A, %dma_wait3A_50] : memref<125x128xf32, #tpu.memory_space<vmem>> -> memref<64x128xf32, #tpu.memory_space<vmem>>
      %dma_wait3A_52 = arith.constant 0 : i32
      %dma_wait3A_53 = tpu.memref_slice %arg10[%add3A_19, %dma_wait3A_52] : memref<10240x128xf32, #tpu.memory_space<vmem_shared>> -> memref<64x128xf32, #tpu.memory_space<vmem_shared>>
      %dma_wait3A_54 = arith.constant 0 : i32
      %dma_wait3A_55 = tpu.memref_slice %arg10[%add3A_19, %dma_wait3A_54] : memref<10240x128xf32, #tpu.memory_space<vmem_shared>> -> memref<64x128xf32, #tpu.memory_space<vmem_shared>>
      %dma_wait3A_56 = arith.constant 0 : i32
      %dma_wait3A_57 = arith.constant 0 : i32
      %dma_wait3A_58 = tpu.memref_slice %arg8[%dma_wait3A_56, %dma_wait3A_57] : memref<125x128xf32, #tpu.memory_space<vmem>> -> memref<64x128xf32, #tpu.memory_space<vmem>>
      tpu.wait_dma2 semaphore(%run_scoped3A : memref<!tpu.dma_semaphore, #tpu.memory_space<semaphore_mem>>) src(%dma_wait3A_58 : memref<64x128xf32, #tpu.memory_space<vmem>>) dst(%dma_wait3A_55 : memref<64x128xf32, #tpu.memory_space<vmem_shared>>)
      tpu.yield
    }) : () -> ()
    %add3A_20 = arith.constant 384 : i32
    %add3A_21 = arith.addi %mul3A_7, %add3A_20 : i32
    "tpu.region"() ({
      %run_scoped3A = tpu.sem_alloc : memref<!tpu.dma_semaphore, #tpu.memory_space<semaphore_mem>>
      %dma_start3A = arith.constant 0 : i32
      %dma_start3A_41 = arith.constant 0 : i32
      %dma_start3A_42 = tpu.memref_slice %arg8[%dma_start3A, %dma_start3A_41] : memref<125x128xf32, #tpu.memory_space<vmem>> -> memref<64x128xf32, #tpu.memory_space<vmem>>
      %dma_start3A_43 = arith.constant 0 : i32
      %dma_start3A_44 = tpu.memref_slice %arg10[%add3A_21, %dma_start3A_43] : memref<10240x128xf32, #tpu.memory_space<vmem_shared>> -> memref<64x128xf32, #tpu.memory_space<vmem_shared>>
      %dma_start3A_45 = arith.constant 0 : i32
      %dma_start3A_46 = tpu.memref_slice %arg10[%add3A_21, %dma_start3A_45] : memref<10240x128xf32, #tpu.memory_space<vmem_shared>> -> memref<64x128xf32, #tpu.memory_space<vmem_shared>>
      %dma_start3A_47 = arith.constant 0 : i32
      %dma_start3A_48 = arith.constant 0 : i32
      %dma_start3A_49 = tpu.memref_slice %arg8[%dma_start3A_47, %dma_start3A_48] : memref<125x128xf32, #tpu.memory_space<vmem>> -> memref<64x128xf32, #tpu.memory_space<vmem>>
      tpu.enqueue_dma source(%dma_start3A_49 : memref<64x128xf32, #tpu.memory_space<vmem>>) target(%dma_start3A_46 : memref<64x128xf32, #tpu.memory_space<vmem_shared>>) target_semaphore(%run_scoped3A : memref<!tpu.dma_semaphore, #tpu.memory_space<semaphore_mem>>)
      %dma_wait3A = arith.constant 0 : i32
      %dma_wait3A_50 = arith.constant 0 : i32
      %dma_wait3A_51 = tpu.memref_slice %arg8[%dma_wait3A, %dma_wait3A_50] : memref<125x128xf32, #tpu.memory_space<vmem>> -> memref<64x128xf32, #tpu.memory_space<vmem>>
      %dma_wait3A_52 = arith.constant 0 : i32
      %dma_wait3A_53 = tpu.memref_slice %arg10[%add3A_21, %dma_wait3A_52] : memref<10240x128xf32, #tpu.memory_space<vmem_shared>> -> memref<64x128xf32, #tpu.memory_space<vmem_shared>>
      %dma_wait3A_54 = arith.constant 0 : i32
      %dma_wait3A_55 = tpu.memref_slice %arg10[%add3A_21, %dma_wait3A_54] : memref<10240x128xf32, #tpu.memory_space<vmem_shared>> -> memref<64x128xf32, #tpu.memory_space<vmem_shared>>
      %dma_wait3A_56 = arith.constant 0 : i32
      %dma_wait3A_57 = arith.constant 0 : i32
      %dma_wait3A_58 = tpu.memref_slice %arg8[%dma_wait3A_56, %dma_wait3A_57] : memref<125x128xf32, #tpu.memory_space<vmem>> -> memref<64x128xf32, #tpu.memory_space<vmem>>
      tpu.wait_dma2 semaphore(%run_scoped3A : memref<!tpu.dma_semaphore, #tpu.memory_space<semaphore_mem>>) src(%dma_wait3A_58 : memref<64x128xf32, #tpu.memory_space<vmem>>) dst(%dma_wait3A_55 : memref<64x128xf32, #tpu.memory_space<vmem_shared>>)
      tpu.yield
    }) : () -> ()
    %add3A_22 = arith.constant 448 : i32
    %add3A_23 = arith.addi %mul3A_7, %add3A_22 : i32
    "tpu.region"() ({
      %run_scoped3A = tpu.sem_alloc : memref<!tpu.dma_semaphore, #tpu.memory_space<semaphore_mem>>
      %dma_start3A = arith.constant 0 : i32
      %dma_start3A_41 = arith.constant 0 : i32
      %dma_start3A_42 = tpu.memref_slice %arg8[%dma_start3A, %dma_start3A_41] : memref<125x128xf32, #tpu.memory_space<vmem>> -> memref<64x128xf32, #tpu.memory_space<vmem>>
      %dma_start3A_43 = arith.constant 0 : i32
      %dma_start3A_44 = tpu.memref_slice %arg10[%add3A_23, %dma_start3A_43] : memref<10240x128xf32, #tpu.memory_space<vmem_shared>> -> memref<64x128xf32, #tpu.memory_space<vmem_shared>>
      %dma_start3A_45 = arith.constant 0 : i32
      %dma_start3A_46 = tpu.memref_slice %arg10[%add3A_23, %dma_start3A_45] : memref<10240x128xf32, #tpu.memory_space<vmem_shared>> -> memref<64x128xf32, #tpu.memory_space<vmem_shared>>
      %dma_start3A_47 = arith.constant 0 : i32
      %dma_start3A_48 = arith.constant 0 : i32
      %dma_start3A_49 = tpu.memref_slice %arg8[%dma_start3A_47, %dma_start3A_48] : memref<125x128xf32, #tpu.memory_space<vmem>> -> memref<64x128xf32, #tpu.memory_space<vmem>>
      tpu.enqueue_dma source(%dma_start3A_49 : memref<64x128xf32, #tpu.memory_space<vmem>>) target(%dma_start3A_46 : memref<64x128xf32, #tpu.memory_space<vmem_shared>>) target_semaphore(%run_scoped3A : memref<!tpu.dma_semaphore, #tpu.memory_space<semaphore_mem>>)
      %dma_wait3A = arith.constant 0 : i32
      %dma_wait3A_50 = arith.constant 0 : i32
      %dma_wait3A_51 = tpu.memref_slice %arg8[%dma_wait3A, %dma_wait3A_50] : memref<125x128xf32, #tpu.memory_space<vmem>> -> memref<64x128xf32, #tpu.memory_space<vmem>>
      %dma_wait3A_52 = arith.constant 0 : i32
      %dma_wait3A_53 = tpu.memref_slice %arg10[%add3A_23, %dma_wait3A_52] : memref<10240x128xf32, #tpu.memory_space<vmem_shared>> -> memref<64x128xf32, #tpu.memory_space<vmem_shared>>
      %dma_wait3A_54 = arith.constant 0 : i32
      %dma_wait3A_55 = tpu.memref_slice %arg10[%add3A_23, %dma_wait3A_54] : memref<10240x128xf32, #tpu.memory_space<vmem_shared>> -> memref<64x128xf32, #tpu.memory_space<vmem_shared>>
      %dma_wait3A_56 = arith.constant 0 : i32
      %dma_wait3A_57 = arith.constant 0 : i32
      %dma_wait3A_58 = tpu.memref_slice %arg8[%dma_wait3A_56, %dma_wait3A_57] : memref<125x128xf32, #tpu.memory_space<vmem>> -> memref<64x128xf32, #tpu.memory_space<vmem>>
      tpu.wait_dma2 semaphore(%run_scoped3A : memref<!tpu.dma_semaphore, #tpu.memory_space<semaphore_mem>>) src(%dma_wait3A_58 : memref<64x128xf32, #tpu.memory_space<vmem>>) dst(%dma_wait3A_55 : memref<64x128xf32, #tpu.memory_space<vmem_shared>>)
      tpu.yield
    }) : () -> ()
    %add3A_24 = arith.constant 512 : i32
    %add3A_25 = arith.addi %mul3A_7, %add3A_24 : i32
    "tpu.region"() ({
      %run_scoped3A = tpu.sem_alloc : memref<!tpu.dma_semaphore, #tpu.memory_space<semaphore_mem>>
      %dma_start3A = arith.constant 0 : i32
      %dma_start3A_41 = arith.constant 0 : i32
      %dma_start3A_42 = tpu.memref_slice %arg8[%dma_start3A, %dma_start3A_41] : memref<125x128xf32, #tpu.memory_space<vmem>> -> memref<64x128xf32, #tpu.memory_space<vmem>>
      %dma_start3A_43 = arith.constant 0 : i32
      %dma_start3A_44 = tpu.memref_slice %arg10[%add3A_25, %dma_start3A_43] : memref<10240x128xf32, #tpu.memory_space<vmem_shared>> -> memref<64x128xf32, #tpu.memory_space<vmem_shared>>
      %dma_start3A_45 = arith.constant 0 : i32
      %dma_start3A_46 = tpu.memref_slice %arg10[%add3A_25, %dma_start3A_45] : memref<10240x128xf32, #tpu.memory_space<vmem_shared>> -> memref<64x128xf32, #tpu.memory_space<vmem_shared>>
      %dma_start3A_47 = arith.constant 0 : i32
      %dma_start3A_48 = arith.constant 0 : i32
      %dma_start3A_49 = tpu.memref_slice %arg8[%dma_start3A_47, %dma_start3A_48] : memref<125x128xf32, #tpu.memory_space<vmem>> -> memref<64x128xf32, #tpu.memory_space<vmem>>
      tpu.enqueue_dma source(%dma_start3A_49 : memref<64x128xf32, #tpu.memory_space<vmem>>) target(%dma_start3A_46 : memref<64x128xf32, #tpu.memory_space<vmem_shared>>) target_semaphore(%run_scoped3A : memref<!tpu.dma_semaphore, #tpu.memory_space<semaphore_mem>>)
      %dma_wait3A = arith.constant 0 : i32
      %dma_wait3A_50 = arith.constant 0 : i32
      %dma_wait3A_51 = tpu.memref_slice %arg8[%dma_wait3A, %dma_wait3A_50] : memref<125x128xf32, #tpu.memory_space<vmem>> -> memref<64x128xf32, #tpu.memory_space<vmem>>
      %dma_wait3A_52 = arith.constant 0 : i32
      %dma_wait3A_53 = tpu.memref_slice %arg10[%add3A_25, %dma_wait3A_52] : memref<10240x128xf32, #tpu.memory_space<vmem_shared>> -> memref<64x128xf32, #tpu.memory_space<vmem_shared>>
      %dma_wait3A_54 = arith.constant 0 : i32
      %dma_wait3A_55 = tpu.memref_slice %arg10[%add3A_25, %dma_wait3A_54] : memref<10240x128xf32, #tpu.memory_space<vmem_shared>> -> memref<64x128xf32, #tpu.memory_space<vmem_shared>>
      %dma_wait3A_56 = arith.constant 0 : i32
      %dma_wait3A_57 = arith.constant 0 : i32
      %dma_wait3A_58 = tpu.memref_slice %arg8[%dma_wait3A_56, %dma_wait3A_57] : memref<125x128xf32, #tpu.memory_space<vmem>> -> memref<64x128xf32, #tpu.memory_space<vmem>>
      tpu.wait_dma2 semaphore(%run_scoped3A : memref<!tpu.dma_semaphore, #tpu.memory_space<semaphore_mem>>) src(%dma_wait3A_58 : memref<64x128xf32, #tpu.memory_space<vmem>>) dst(%dma_wait3A_55 : memref<64x128xf32, #tpu.memory_space<vmem_shared>>)
      tpu.yield
    }) : () -> ()
    %add3A_26 = arith.constant 576 : i32
    %add3A_27 = arith.addi %mul3A_7, %add3A_26 : i32
    "tpu.region"() ({
      %run_scoped3A = tpu.sem_alloc : memref<!tpu.dma_semaphore, #tpu.memory_space<semaphore_mem>>
      %dma_start3A = arith.constant 0 : i32
      %dma_start3A_41 = arith.constant 0 : i32
      %dma_start3A_42 = tpu.memref_slice %arg8[%dma_start3A, %dma_start3A_41] : memref<125x128xf32, #tpu.memory_space<vmem>> -> memref<64x128xf32, #tpu.memory_space<vmem>>
      %dma_start3A_43 = arith.constant 0 : i32
      %dma_start3A_44 = tpu.memref_slice %arg10[%add3A_27, %dma_start3A_43] : memref<10240x128xf32, #tpu.memory_space<vmem_shared>> -> memref<64x128xf32, #tpu.memory_space<vmem_shared>>
      %dma_start3A_45 = arith.constant 0 : i32
      %dma_start3A_46 = tpu.memref_slice %arg10[%add3A_27, %dma_start3A_45] : memref<10240x128xf32, #tpu.memory_space<vmem_shared>> -> memref<64x128xf32, #tpu.memory_space<vmem_shared>>
      %dma_start3A_47 = arith.constant 0 : i32
      %dma_start3A_48 = arith.constant 0 : i32
      %dma_start3A_49 = tpu.memref_slice %arg8[%dma_start3A_47, %dma_start3A_48] : memref<125x128xf32, #tpu.memory_space<vmem>> -> memref<64x128xf32, #tpu.memory_space<vmem>>
      tpu.enqueue_dma source(%dma_start3A_49 : memref<64x128xf32, #tpu.memory_space<vmem>>) target(%dma_start3A_46 : memref<64x128xf32, #tpu.memory_space<vmem_shared>>) target_semaphore(%run_scoped3A : memref<!tpu.dma_semaphore, #tpu.memory_space<semaphore_mem>>)
      %dma_wait3A = arith.constant 0 : i32
      %dma_wait3A_50 = arith.constant 0 : i32
      %dma_wait3A_51 = tpu.memref_slice %arg8[%dma_wait3A, %dma_wait3A_50] : memref<125x128xf32, #tpu.memory_space<vmem>> -> memref<64x128xf32, #tpu.memory_space<vmem>>
      %dma_wait3A_52 = arith.constant 0 : i32
      %dma_wait3A_53 = tpu.memref_slice %arg10[%add3A_27, %dma_wait3A_52] : memref<10240x128xf32, #tpu.memory_space<vmem_shared>> -> memref<64x128xf32, #tpu.memory_space<vmem_shared>>
      %dma_wait3A_54 = arith.constant 0 : i32
      %dma_wait3A_55 = tpu.memref_slice %arg10[%add3A_27, %dma_wait3A_54] : memref<10240x128xf32, #tpu.memory_space<vmem_shared>> -> memref<64x128xf32, #tpu.memory_space<vmem_shared>>
      %dma_wait3A_56 = arith.constant 0 : i32
      %dma_wait3A_57 = arith.constant 0 : i32
      %dma_wait3A_58 = tpu.memref_slice %arg8[%dma_wait3A_56, %dma_wait3A_57] : memref<125x128xf32, #tpu.memory_space<vmem>> -> memref<64x128xf32, #tpu.memory_space<vmem>>
      tpu.wait_dma2 semaphore(%run_scoped3A : memref<!tpu.dma_semaphore, #tpu.memory_space<semaphore_mem>>) src(%dma_wait3A_58 : memref<64x128xf32, #tpu.memory_space<vmem>>) dst(%dma_wait3A_55 : memref<64x128xf32, #tpu.memory_space<vmem_shared>>)
      tpu.yield
    }) : () -> ()
    %barrier3A = arith.constant 0 : index
    tpu.barrier barrier_id(%barrier3A)
    "tpu.region"() ({
      %run_scoped3A = tpu.sem_alloc : memref<!tpu.dma_semaphore, #tpu.memory_space<semaphore_mem>>
      %dma_start3A = arith.constant 0 : i32
      %dma_start3A_41 = arith.constant 0 : i32
      %dma_start3A_42 = tpu.memref_slice %arg3[%add3A, %dma_start3A, %dma_start3A_41] : memref<32x80x125xi32, #tpu.memory_space<hbm>> -> memref<1x40x125xi32, #tpu.memory_space<hbm>>
      %dma_start3A_43 = tpu.memref_squeeze %dma_start3A_42 : memref<1x40x125xi32, #tpu.memory_space<hbm>> -> memref<40x125xi32, #tpu.memory_space<hbm>>
      %dma_start3A_44 = arith.constant 0 : i32
      %dma_start3A_45 = arith.constant 0 : i32
      %dma_start3A_46 = tpu.memref_slice %arg3[%add3A, %dma_start3A_44, %dma_start3A_45] : memref<32x80x125xi32, #tpu.memory_space<hbm>> -> memref<1x40x125xi32, #tpu.memory_space<hbm>>
      %dma_start3A_47 = tpu.memref_squeeze %dma_start3A_46 : memref<1x40x125xi32, #tpu.memory_space<hbm>> -> memref<40x125xi32, #tpu.memory_space<hbm>>
      tpu.enqueue_dma source(%dma_start3A_47 : memref<40x125xi32, #tpu.memory_space<hbm>>) target(%arg6 : memref<40x125xi32, #tpu.memory_space<vmem>>) target_semaphore(%run_scoped3A : memref<!tpu.dma_semaphore, #tpu.memory_space<semaphore_mem>>)
      %dma_wait3A = arith.constant 0 : i32
      %dma_wait3A_48 = arith.constant 0 : i32
      %dma_wait3A_49 = tpu.memref_slice %arg3[%add3A, %dma_wait3A, %dma_wait3A_48] : memref<32x80x125xi32, #tpu.memory_space<hbm>> -> memref<1x40x125xi32, #tpu.memory_space<hbm>>
      %dma_wait3A_50 = tpu.memref_squeeze %dma_wait3A_49 : memref<1x40x125xi32, #tpu.memory_space<hbm>> -> memref<40x125xi32, #tpu.memory_space<hbm>>
      %dma_wait3A_51 = arith.constant 0 : i32
      %dma_wait3A_52 = arith.constant 0 : i32
      %dma_wait3A_53 = tpu.memref_slice %arg3[%add3A, %dma_wait3A_51, %dma_wait3A_52] : memref<32x80x125xi32, #tpu.memory_space<hbm>> -> memref<1x40x125xi32, #tpu.memory_space<hbm>>
      %dma_wait3A_54 = tpu.memref_squeeze %dma_wait3A_53 : memref<1x40x125xi32, #tpu.memory_space<hbm>> -> memref<40x125xi32, #tpu.memory_space<hbm>>
      tpu.wait_dma2 semaphore(%run_scoped3A : memref<!tpu.dma_semaphore, #tpu.memory_space<semaphore_mem>>) src(%dma_wait3A_54 : memref<40x125xi32, #tpu.memory_space<hbm>>) dst(%arg6 : memref<40x125xi32, #tpu.memory_space<vmem>>)
      tpu.yield
    }) : () -> ()
    "tpu.region"() ({
      %run_scoped3A = tpu.sem_alloc : memref<!tpu.dma_semaphore, #tpu.memory_space<semaphore_mem>>
      %dma_start3A = arith.constant 0 : i32
      %dma_start3A_41 = arith.constant 0 : i32
      %dma_start3A_42 = tpu.memref_slice %arg4[%add3A, %dma_start3A, %dma_start3A_41] : memref<32x80x125xi32, #tpu.memory_space<hbm>> -> memref<1x40x125xi32, #tpu.memory_space<hbm>>
      %dma_start3A_43 = tpu.memref_squeeze %dma_start3A_42 : memref<1x40x125xi32, #tpu.memory_space<hbm>> -> memref<40x125xi32, #tpu.memory_space<hbm>>
      %dma_start3A_44 = arith.constant 0 : i32
      %dma_start3A_45 = arith.constant 0 : i32
      %dma_start3A_46 = tpu.memref_slice %arg4[%add3A, %dma_start3A_44, %dma_start3A_45] : memref<32x80x125xi32, #tpu.memory_space<hbm>> -> memref<1x40x125xi32, #tpu.memory_space<hbm>>
      %dma_start3A_47 = tpu.memref_squeeze %dma_start3A_46 : memref<1x40x125xi32, #tpu.memory_space<hbm>> -> memref<40x125xi32, #tpu.memory_space<hbm>>
      tpu.enqueue_dma source(%dma_start3A_47 : memref<40x125xi32, #tpu.memory_space<hbm>>) target(%arg7 : memref<40x125xi32, #tpu.memory_space<vmem>>) target_semaphore(%run_scoped3A : memref<!tpu.dma_semaphore, #tpu.memory_space<semaphore_mem>>)
      %dma_wait3A = arith.constant 0 : i32
      %dma_wait3A_48 = arith.constant 0 : i32
      %dma_wait3A_49 = tpu.memref_slice %arg4[%add3A, %dma_wait3A, %dma_wait3A_48] : memref<32x80x125xi32, #tpu.memory_space<hbm>> -> memref<1x40x125xi32, #tpu.memory_space<hbm>>
      %dma_wait3A_50 = tpu.memref_squeeze %dma_wait3A_49 : memref<1x40x125xi32, #tpu.memory_space<hbm>> -> memref<40x125xi32, #tpu.memory_space<hbm>>
      %dma_wait3A_51 = arith.constant 0 : i32
      %dma_wait3A_52 = arith.constant 0 : i32
      %dma_wait3A_53 = tpu.memref_slice %arg4[%add3A, %dma_wait3A_51, %dma_wait3A_52] : memref<32x80x125xi32, #tpu.memory_space<hbm>> -> memref<1x40x125xi32, #tpu.memory_space<hbm>>
      %dma_wait3A_54 = tpu.memref_squeeze %dma_wait3A_53 : memref<1x40x125xi32, #tpu.memory_space<hbm>> -> memref<40x125xi32, #tpu.memory_space<hbm>>
      tpu.wait_dma2 semaphore(%run_scoped3A : memref<!tpu.dma_semaphore, #tpu.memory_space<semaphore_mem>>) src(%dma_wait3A_54 : memref<40x125xi32, #tpu.memory_space<hbm>>) dst(%arg7 : memref<40x125xi32, #tpu.memory_space<vmem>>)
      tpu.yield
    }) : () -> ()
    %scan3A_28 = arith.constant 0 : i32
    %scan3A_29 = arith.constant 0 : i32
    %scan3A_30 = arith.constant 20 : i32
    %scan3A_31 = arith.addi %scan3A_29, %scan3A_30 : i32
    %scan3A_32 = arith.constant 1 : i32
    scf.for %scan3A_41 = %scan3A_29 to %scan3A_31 step %scan3A_32  : i32 {
      %mul3A_42 = arith.constant 2 : i32
      %mul3A_43 = arith.muli %mul3A_42, %scan3A_41 : i32
      %dma_start3A = arith.constant 0 : i32
      %dma_start3A_44 = tpu.memref_slice %arg6[%mul3A_43, %dma_start3A] : memref<40x125xi32, #tpu.memory_space<vmem>> -> memref<1x125xi32, #tpu.memory_space<vmem>>
      %dma_start3A_45 = tpu.memref_squeeze %dma_start3A_44 : memref<1x125xi32, #tpu.memory_space<vmem>> -> memref<125xi32, #tpu.memory_space<vmem>>
      %dma_start3A_46 = arith.constant 0 : i32
      %dma_start3A_47 = arith.constant 0 : i32
      %dma_start3A_48 = tpu.memref_slice %arg2[%dma_start3A_46, %dma_start3A_47] : memref<10000x128xf32, #tpu.memory_space<hbm>> -> memref<10000x128xf32, #tpu.memory_space<hbm>>
      tpu.enqueue_indirect_dma source(%dma_start3A_48 : memref<10000x128xf32, #tpu.memory_space<hbm>>) target(%arg8 : memref<125x128xf32, #tpu.memory_space<vmem>>) offsets(%dma_start3A_45 : memref<125xi32, #tpu.memory_space<vmem>>) semaphore(%arg11 : memref<!tpu.dma_semaphore, #tpu.memory_space<semaphore_mem>>)
      %add3A_49 = arith.constant 1 : i32
      %add3A_50 = arith.addi %mul3A_43, %add3A_49 : i32
      %dma_start3A_51 = arith.constant 0 : i32
      %dma_start3A_52 = tpu.memref_slice %arg6[%add3A_50, %dma_start3A_51] : memref<40x125xi32, #tpu.memory_space<vmem>> -> memref<1x125xi32, #tpu.memory_space<vmem>>
      %dma_start3A_53 = tpu.memref_squeeze %dma_start3A_52 : memref<1x125xi32, #tpu.memory_space<vmem>> -> memref<125xi32, #tpu.memory_space<vmem>>
      %dma_start3A_54 = arith.constant 0 : i32
      %dma_start3A_55 = arith.constant 0 : i32
      %dma_start3A_56 = tpu.memref_slice %arg2[%dma_start3A_54, %dma_start3A_55] : memref<10000x128xf32, #tpu.memory_space<hbm>> -> memref<10000x128xf32, #tpu.memory_space<hbm>>
      tpu.enqueue_indirect_dma source(%dma_start3A_56 : memref<10000x128xf32, #tpu.memory_space<hbm>>) target(%arg9 : memref<125x128xf32, #tpu.memory_space<vmem>>) offsets(%dma_start3A_53 : memref<125xi32, #tpu.memory_space<vmem>>) semaphore(%arg12 : memref<!tpu.dma_semaphore, #tpu.memory_space<semaphore_mem>>)
      %dma_wait3A = arith.constant 0 : i32
      %dma_wait3A_57 = tpu.memref_slice %arg6[%mul3A_43, %dma_wait3A] : memref<40x125xi32, #tpu.memory_space<vmem>> -> memref<1x125xi32, #tpu.memory_space<vmem>>
      %dma_wait3A_58 = tpu.memref_squeeze %dma_wait3A_57 : memref<1x125xi32, #tpu.memory_space<vmem>> -> memref<125xi32, #tpu.memory_space<vmem>>
      %dma_wait3A_59 = arith.constant 0 : i32
      %dma_wait3A_60 = arith.constant 0 : i32
      %dma_wait3A_61 = tpu.memref_slice %arg2[%dma_wait3A_59, %dma_wait3A_60] : memref<10000x128xf32, #tpu.memory_space<hbm>> -> memref<10000x128xf32, #tpu.memory_space<hbm>>
      tpu.wait_indirect_dma semaphore(%arg11 : memref<!tpu.dma_semaphore, #tpu.memory_space<semaphore_mem>>) src(%dma_wait3A_61 : memref<10000x128xf32, #tpu.memory_space<hbm>>) dst(%arg8 : memref<125x128xf32, #tpu.memory_space<vmem>>)
      %dma_start3A_62 = arith.constant 0 : i32
      %dma_start3A_63 = tpu.memref_slice %arg7[%mul3A_43, %dma_start3A_62] : memref<40x125xi32, #tpu.memory_space<vmem>> -> memref<1x125xi32, #tpu.memory_space<vmem>>
      %dma_start3A_64 = tpu.memref_squeeze %dma_start3A_63 : memref<1x125xi32, #tpu.memory_space<vmem>> -> memref<125xi32, #tpu.memory_space<vmem>>
      %dma_start3A_65 = arith.constant 0 : i32
      %dma_start3A_66 = arith.constant 0 : i32
      %dma_start3A_67 = tpu.memref_slice %arg10[%dma_start3A_65, %dma_start3A_66] : memref<10240x128xf32, #tpu.memory_space<vmem_shared>> -> memref<10240x128xf32, #tpu.memory_space<vmem_shared>>
      tpu.enqueue_indirect_dma source(%arg8 : memref<125x128xf32, #tpu.memory_space<vmem>>) target(%dma_start3A_67 : memref<10240x128xf32, #tpu.memory_space<vmem_shared>>) offsets(%dma_start3A_64 : memref<125xi32, #tpu.memory_space<vmem>>) semaphore(%arg13 : memref<!tpu.dma_semaphore, #tpu.memory_space<semaphore_mem>>) {add = true}
      %dma_wait3A_68 = arith.constant 0 : i32
      %dma_wait3A_69 = tpu.memref_slice %arg6[%add3A_50, %dma_wait3A_68] : memref<40x125xi32, #tpu.memory_space<vmem>> -> memref<1x125xi32, #tpu.memory_space<vmem>>
      %dma_wait3A_70 = tpu.memref_squeeze %dma_wait3A_69 : memref<1x125xi32, #tpu.memory_space<vmem>> -> memref<125xi32, #tpu.memory_space<vmem>>
      %dma_wait3A_71 = arith.constant 0 : i32
      %dma_wait3A_72 = arith.constant 0 : i32
      %dma_wait3A_73 = tpu.memref_slice %arg2[%dma_wait3A_71, %dma_wait3A_72] : memref<10000x128xf32, #tpu.memory_space<hbm>> -> memref<10000x128xf32, #tpu.memory_space<hbm>>
      tpu.wait_indirect_dma semaphore(%arg12 : memref<!tpu.dma_semaphore, #tpu.memory_space<semaphore_mem>>) src(%dma_wait3A_73 : memref<10000x128xf32, #tpu.memory_space<hbm>>) dst(%arg9 : memref<125x128xf32, #tpu.memory_space<vmem>>)
      %add3A_74 = arith.constant 1 : i32
      %add3A_75 = arith.addi %mul3A_43, %add3A_74 : i32
      %dma_start3A_76 = arith.constant 0 : i32
      %dma_start3A_77 = tpu.memref_slice %arg7[%add3A_75, %dma_start3A_76] : memref<40x125xi32, #tpu.memory_space<vmem>> -> memref<1x125xi32, #tpu.memory_space<vmem>>
      %dma_start3A_78 = tpu.memref_squeeze %dma_start3A_77 : memref<1x125xi32, #tpu.memory_space<vmem>> -> memref<125xi32, #tpu.memory_space<vmem>>
      %dma_start3A_79 = arith.constant 0 : i32
      %dma_start3A_80 = arith.constant 0 : i32
      %dma_start3A_81 = tpu.memref_slice %arg10[%dma_start3A_79, %dma_start3A_80] : memref<10240x128xf32, #tpu.memory_space<vmem_shared>> -> memref<10240x128xf32, #tpu.memory_space<vmem_shared>>
      tpu.enqueue_indirect_dma source(%arg9 : memref<125x128xf32, #tpu.memory_space<vmem>>) target(%dma_start3A_81 : memref<10240x128xf32, #tpu.memory_space<vmem_shared>>) offsets(%dma_start3A_78 : memref<125xi32, #tpu.memory_space<vmem>>) semaphore(%arg14 : memref<!tpu.dma_semaphore, #tpu.memory_space<semaphore_mem>>) {add = true}
      %dma_wait3A_82 = arith.constant 0 : i32
      %dma_wait3A_83 = tpu.memref_slice %arg7[%mul3A_43, %dma_wait3A_82] : memref<40x125xi32, #tpu.memory_space<vmem>> -> memref<1x125xi32, #tpu.memory_space<vmem>>
      %dma_wait3A_84 = tpu.memref_squeeze %dma_wait3A_83 : memref<1x125xi32, #tpu.memory_space<vmem>> -> memref<125xi32, #tpu.memory_space<vmem>>
      %dma_wait3A_85 = arith.constant 0 : i32
      %dma_wait3A_86 = arith.constant 0 : i32
      %dma_wait3A_87 = tpu.memref_slice %arg10[%dma_wait3A_85, %dma_wait3A_86] : memref<10240x128xf32, #tpu.memory_space<vmem_shared>> -> memref<10240x128xf32, #tpu.memory_space<vmem_shared>>
      tpu.wait_indirect_dma semaphore(%arg13 : memref<!tpu.dma_semaphore, #tpu.memory_space<semaphore_mem>>) src(%arg8 : memref<125x128xf32, #tpu.memory_space<vmem>>) dst(%dma_wait3A_87 : memref<10240x128xf32, #tpu.memory_space<vmem_shared>>)
      %dma_wait3A_88 = arith.constant 0 : i32
      %dma_wait3A_89 = tpu.memref_slice %arg7[%add3A_75, %dma_wait3A_88] : memref<40x125xi32, #tpu.memory_space<vmem>> -> memref<1x125xi32, #tpu.memory_space<vmem>>
      %dma_wait3A_90 = tpu.memref_squeeze %dma_wait3A_89 : memref<1x125xi32, #tpu.memory_space<vmem>> -> memref<125xi32, #tpu.memory_space<vmem>>
      %dma_wait3A_91 = arith.constant 0 : i32
      %dma_wait3A_92 = arith.constant 0 : i32
      %dma_wait3A_93 = tpu.memref_slice %arg10[%dma_wait3A_91, %dma_wait3A_92] : memref<10240x128xf32, #tpu.memory_space<vmem_shared>> -> memref<10240x128xf32, #tpu.memory_space<vmem_shared>>
      tpu.wait_indirect_dma semaphore(%arg14 : memref<!tpu.dma_semaphore, #tpu.memory_space<semaphore_mem>>) src(%arg9 : memref<125x128xf32, #tpu.memory_space<vmem>>) dst(%dma_wait3A_93 : memref<10240x128xf32, #tpu.memory_space<vmem_shared>>)
    }
    %scan3A_33 = arith.constant 20 : i32
    "tpu.region"() ({
      %run_scoped3A = tpu.sem_alloc : memref<!tpu.dma_semaphore, #tpu.memory_space<semaphore_mem>>
      %dma_start3A = arith.constant 40 : i32
      %dma_start3A_41 = arith.constant 0 : i32
      %dma_start3A_42 = tpu.memref_slice %arg3[%add3A, %dma_start3A, %dma_start3A_41] : memref<32x80x125xi32, #tpu.memory_space<hbm>> -> memref<1x40x125xi32, #tpu.memory_space<hbm>>
      %dma_start3A_43 = tpu.memref_squeeze %dma_start3A_42 : memref<1x40x125xi32, #tpu.memory_space<hbm>> -> memref<40x125xi32, #tpu.memory_space<hbm>>
      %dma_start3A_44 = arith.constant 40 : i32
      %dma_start3A_45 = arith.constant 0 : i32
      %dma_start3A_46 = tpu.memref_slice %arg3[%add3A, %dma_start3A_44, %dma_start3A_45] : memref<32x80x125xi32, #tpu.memory_space<hbm>> -> memref<1x40x125xi32, #tpu.memory_space<hbm>>
      %dma_start3A_47 = tpu.memref_squeeze %dma_start3A_46 : memref<1x40x125xi32, #tpu.memory_space<hbm>> -> memref<40x125xi32, #tpu.memory_space<hbm>>
      tpu.enqueue_dma source(%dma_start3A_47 : memref<40x125xi32, #tpu.memory_space<hbm>>) target(%arg6 : memref<40x125xi32, #tpu.memory_space<vmem>>) target_semaphore(%run_scoped3A : memref<!tpu.dma_semaphore, #tpu.memory_space<semaphore_mem>>)
      %dma_wait3A = arith.constant 40 : i32
      %dma_wait3A_48 = arith.constant 0 : i32
      %dma_wait3A_49 = tpu.memref_slice %arg3[%add3A, %dma_wait3A, %dma_wait3A_48] : memref<32x80x125xi32, #tpu.memory_space<hbm>> -> memref<1x40x125xi32, #tpu.memory_space<hbm>>
      %dma_wait3A_50 = tpu.memref_squeeze %dma_wait3A_49 : memref<1x40x125xi32, #tpu.memory_space<hbm>> -> memref<40x125xi32, #tpu.memory_space<hbm>>
      %dma_wait3A_51 = arith.constant 40 : i32
      %dma_wait3A_52 = arith.constant 0 : i32
      %dma_wait3A_53 = tpu.memref_slice %arg3[%add3A, %dma_wait3A_51, %dma_wait3A_52] : memref<32x80x125xi32, #tpu.memory_space<hbm>> -> memref<1x40x125xi32, #tpu.memory_space<hbm>>
      %dma_wait3A_54 = tpu.memref_squeeze %dma_wait3A_53 : memref<1x40x125xi32, #tpu.memory_space<hbm>> -> memref<40x125xi32, #tpu.memory_space<hbm>>
      tpu.wait_dma2 semaphore(%run_scoped3A : memref<!tpu.dma_semaphore, #tpu.memory_space<semaphore_mem>>) src(%dma_wait3A_54 : memref<40x125xi32, #tpu.memory_space<hbm>>) dst(%arg6 : memref<40x125xi32, #tpu.memory_space<vmem>>)
      tpu.yield
    }) : () -> ()
    "tpu.region"() ({
      %run_scoped3A = tpu.sem_alloc : memref<!tpu.dma_semaphore, #tpu.memory_space<semaphore_mem>>
      %dma_start3A = arith.constant 40 : i32
      %dma_start3A_41 = arith.constant 0 : i32
      %dma_start3A_42 = tpu.memref_slice %arg4[%add3A, %dma_start3A, %dma_start3A_41] : memref<32x80x125xi32, #tpu.memory_space<hbm>> -> memref<1x40x125xi32, #tpu.memory_space<hbm>>
      %dma_start3A_43 = tpu.memref_squeeze %dma_start3A_42 : memref<1x40x125xi32, #tpu.memory_space<hbm>> -> memref<40x125xi32, #tpu.memory_space<hbm>>
      %dma_start3A_44 = arith.constant 40 : i32
      %dma_start3A_45 = arith.constant 0 : i32
      %dma_start3A_46 = tpu.memref_slice %arg4[%add3A, %dma_start3A_44, %dma_start3A_45] : memref<32x80x125xi32, #tpu.memory_space<hbm>> -> memref<1x40x125xi32, #tpu.memory_space<hbm>>
      %dma_start3A_47 = tpu.memref_squeeze %dma_start3A_46 : memref<1x40x125xi32, #tpu.memory_space<hbm>> -> memref<40x125xi32, #tpu.memory_space<hbm>>
      tpu.enqueue_dma source(%dma_start3A_47 : memref<40x125xi32, #tpu.memory_space<hbm>>) target(%arg7 : memref<40x125xi32, #tpu.memory_space<vmem>>) target_semaphore(%run_scoped3A : memref<!tpu.dma_semaphore, #tpu.memory_space<semaphore_mem>>)
      %dma_wait3A = arith.constant 40 : i32
      %dma_wait3A_48 = arith.constant 0 : i32
      %dma_wait3A_49 = tpu.memref_slice %arg4[%add3A, %dma_wait3A, %dma_wait3A_48] : memref<32x80x125xi32, #tpu.memory_space<hbm>> -> memref<1x40x125xi32, #tpu.memory_space<hbm>>
      %dma_wait3A_50 = tpu.memref_squeeze %dma_wait3A_49 : memref<1x40x125xi32, #tpu.memory_space<hbm>> -> memref<40x125xi32, #tpu.memory_space<hbm>>
      %dma_wait3A_51 = arith.constant 40 : i32
      %dma_wait3A_52 = arith.constant 0 : i32
      %dma_wait3A_53 = tpu.memref_slice %arg4[%add3A, %dma_wait3A_51, %dma_wait3A_52] : memref<32x80x125xi32, #tpu.memory_space<hbm>> -> memref<1x40x125xi32, #tpu.memory_space<hbm>>
      %dma_wait3A_54 = tpu.memref_squeeze %dma_wait3A_53 : memref<1x40x125xi32, #tpu.memory_space<hbm>> -> memref<40x125xi32, #tpu.memory_space<hbm>>
      tpu.wait_dma2 semaphore(%run_scoped3A : memref<!tpu.dma_semaphore, #tpu.memory_space<semaphore_mem>>) src(%dma_wait3A_54 : memref<40x125xi32, #tpu.memory_space<hbm>>) dst(%arg7 : memref<40x125xi32, #tpu.memory_space<vmem>>)
      tpu.yield
    }) : () -> ()
    %scan3A_34 = arith.constant 0 : i32
    %scan3A_35 = arith.constant 0 : i32
    %scan3A_36 = arith.constant 20 : i32
    %scan3A_37 = arith.addi %scan3A_35, %scan3A_36 : i32
    %scan3A_38 = arith.constant 1 : i32
    scf.for %scan3A_41 = %scan3A_35 to %scan3A_37 step %scan3A_38  : i32 {
      %mul3A_42 = arith.constant 2 : i32
      %mul3A_43 = arith.muli %mul3A_42, %scan3A_41 : i32
      %dma_start3A = arith.constant 0 : i32
      %dma_start3A_44 = tpu.memref_slice %arg6[%mul3A_43, %dma_start3A] : memref<40x125xi32, #tpu.memory_space<vmem>> -> memref<1x125xi32, #tpu.memory_space<vmem>>
      %dma_start3A_45 = tpu.memref_squeeze %dma_start3A_44 : memref<1x125xi32, #tpu.memory_space<vmem>> -> memref<125xi32, #tpu.memory_space<vmem>>
      %dma_start3A_46 = arith.constant 0 : i32
      %dma_start3A_47 = arith.constant 0 : i32
      %dma_start3A_48 = tpu.memref_slice %arg2[%dma_start3A_46, %dma_start3A_47] : memref<10000x128xf32, #tpu.memory_space<hbm>> -> memref<10000x128xf32, #tpu.memory_space<hbm>>
      tpu.enqueue_indirect_dma source(%dma_start3A_48 : memref<10000x128xf32, #tpu.memory_space<hbm>>) target(%arg8 : memref<125x128xf32, #tpu.memory_space<vmem>>) offsets(%dma_start3A_45 : memref<125xi32, #tpu.memory_space<vmem>>) semaphore(%arg11 : memref<!tpu.dma_semaphore, #tpu.memory_space<semaphore_mem>>)
      %add3A_49 = arith.constant 1 : i32
      %add3A_50 = arith.addi %mul3A_43, %add3A_49 : i32
      %dma_start3A_51 = arith.constant 0 : i32
      %dma_start3A_52 = tpu.memref_slice %arg6[%add3A_50, %dma_start3A_51] : memref<40x125xi32, #tpu.memory_space<vmem>> -> memref<1x125xi32, #tpu.memory_space<vmem>>
      %dma_start3A_53 = tpu.memref_squeeze %dma_start3A_52 : memref<1x125xi32, #tpu.memory_space<vmem>> -> memref<125xi32, #tpu.memory_space<vmem>>
      %dma_start3A_54 = arith.constant 0 : i32
      %dma_start3A_55 = arith.constant 0 : i32
      %dma_start3A_56 = tpu.memref_slice %arg2[%dma_start3A_54, %dma_start3A_55] : memref<10000x128xf32, #tpu.memory_space<hbm>> -> memref<10000x128xf32, #tpu.memory_space<hbm>>
      tpu.enqueue_indirect_dma source(%dma_start3A_56 : memref<10000x128xf32, #tpu.memory_space<hbm>>) target(%arg9 : memref<125x128xf32, #tpu.memory_space<vmem>>) offsets(%dma_start3A_53 : memref<125xi32, #tpu.memory_space<vmem>>) semaphore(%arg12 : memref<!tpu.dma_semaphore, #tpu.memory_space<semaphore_mem>>)
      %dma_wait3A = arith.constant 0 : i32
      %dma_wait3A_57 = tpu.memref_slice %arg6[%mul3A_43, %dma_wait3A] : memref<40x125xi32, #tpu.memory_space<vmem>> -> memref<1x125xi32, #tpu.memory_space<vmem>>
      %dma_wait3A_58 = tpu.memref_squeeze %dma_wait3A_57 : memref<1x125xi32, #tpu.memory_space<vmem>> -> memref<125xi32, #tpu.memory_space<vmem>>
      %dma_wait3A_59 = arith.constant 0 : i32
      %dma_wait3A_60 = arith.constant 0 : i32
      %dma_wait3A_61 = tpu.memref_slice %arg2[%dma_wait3A_59, %dma_wait3A_60] : memref<10000x128xf32, #tpu.memory_space<hbm>> -> memref<10000x128xf32, #tpu.memory_space<hbm>>
      tpu.wait_indirect_dma semaphore(%arg11 : memref<!tpu.dma_semaphore, #tpu.memory_space<semaphore_mem>>) src(%dma_wait3A_61 : memref<10000x128xf32, #tpu.memory_space<hbm>>) dst(%arg8 : memref<125x128xf32, #tpu.memory_space<vmem>>)
      %dma_start3A_62 = arith.constant 0 : i32
      %dma_start3A_63 = tpu.memref_slice %arg7[%mul3A_43, %dma_start3A_62] : memref<40x125xi32, #tpu.memory_space<vmem>> -> memref<1x125xi32, #tpu.memory_space<vmem>>
      %dma_start3A_64 = tpu.memref_squeeze %dma_start3A_63 : memref<1x125xi32, #tpu.memory_space<vmem>> -> memref<125xi32, #tpu.memory_space<vmem>>
      %dma_start3A_65 = arith.constant 0 : i32
      %dma_start3A_66 = arith.constant 0 : i32
      %dma_start3A_67 = tpu.memref_slice %arg10[%dma_start3A_65, %dma_start3A_66] : memref<10240x128xf32, #tpu.memory_space<vmem_shared>> -> memref<10240x128xf32, #tpu.memory_space<vmem_shared>>
      tpu.enqueue_indirect_dma source(%arg8 : memref<125x128xf32, #tpu.memory_space<vmem>>) target(%dma_start3A_67 : memref<10240x128xf32, #tpu.memory_space<vmem_shared>>) offsets(%dma_start3A_64 : memref<125xi32, #tpu.memory_space<vmem>>) semaphore(%arg13 : memref<!tpu.dma_semaphore, #tpu.memory_space<semaphore_mem>>) {add = true}
      %dma_wait3A_68 = arith.constant 0 : i32
      %dma_wait3A_69 = tpu.memref_slice %arg6[%add3A_50, %dma_wait3A_68] : memref<40x125xi32, #tpu.memory_space<vmem>> -> memref<1x125xi32, #tpu.memory_space<vmem>>
      %dma_wait3A_70 = tpu.memref_squeeze %dma_wait3A_69 : memref<1x125xi32, #tpu.memory_space<vmem>> -> memref<125xi32, #tpu.memory_space<vmem>>
      %dma_wait3A_71 = arith.constant 0 : i32
      %dma_wait3A_72 = arith.constant 0 : i32
      %dma_wait3A_73 = tpu.memref_slice %arg2[%dma_wait3A_71, %dma_wait3A_72] : memref<10000x128xf32, #tpu.memory_space<hbm>> -> memref<10000x128xf32, #tpu.memory_space<hbm>>
      tpu.wait_indirect_dma semaphore(%arg12 : memref<!tpu.dma_semaphore, #tpu.memory_space<semaphore_mem>>) src(%dma_wait3A_73 : memref<10000x128xf32, #tpu.memory_space<hbm>>) dst(%arg9 : memref<125x128xf32, #tpu.memory_space<vmem>>)
      %add3A_74 = arith.constant 1 : i32
      %add3A_75 = arith.addi %mul3A_43, %add3A_74 : i32
      %dma_start3A_76 = arith.constant 0 : i32
      %dma_start3A_77 = tpu.memref_slice %arg7[%add3A_75, %dma_start3A_76] : memref<40x125xi32, #tpu.memory_space<vmem>> -> memref<1x125xi32, #tpu.memory_space<vmem>>
      %dma_start3A_78 = tpu.memref_squeeze %dma_start3A_77 : memref<1x125xi32, #tpu.memory_space<vmem>> -> memref<125xi32, #tpu.memory_space<vmem>>
      %dma_start3A_79 = arith.constant 0 : i32
      %dma_start3A_80 = arith.constant 0 : i32
      %dma_start3A_81 = tpu.memref_slice %arg10[%dma_start3A_79, %dma_start3A_80] : memref<10240x128xf32, #tpu.memory_space<vmem_shared>> -> memref<10240x128xf32, #tpu.memory_space<vmem_shared>>
      tpu.enqueue_indirect_dma source(%arg9 : memref<125x128xf32, #tpu.memory_space<vmem>>) target(%dma_start3A_81 : memref<10240x128xf32, #tpu.memory_space<vmem_shared>>) offsets(%dma_start3A_78 : memref<125xi32, #tpu.memory_space<vmem>>) semaphore(%arg14 : memref<!tpu.dma_semaphore, #tpu.memory_space<semaphore_mem>>) {add = true}
      %dma_wait3A_82 = arith.constant 0 : i32
      %dma_wait3A_83 = tpu.memref_slice %arg7[%mul3A_43, %dma_wait3A_82] : memref<40x125xi32, #tpu.memory_space<vmem>> -> memref<1x125xi32, #tpu.memory_space<vmem>>
      %dma_wait3A_84 = tpu.memref_squeeze %dma_wait3A_83 : memref<1x125xi32, #tpu.memory_space<vmem>> -> memref<125xi32, #tpu.memory_space<vmem>>
      %dma_wait3A_85 = arith.constant 0 : i32
      %dma_wait3A_86 = arith.constant 0 : i32
      %dma_wait3A_87 = tpu.memref_slice %arg10[%dma_wait3A_85, %dma_wait3A_86] : memref<10240x128xf32, #tpu.memory_space<vmem_shared>> -> memref<10240x128xf32, #tpu.memory_space<vmem_shared>>
      tpu.wait_indirect_dma semaphore(%arg13 : memref<!tpu.dma_semaphore, #tpu.memory_space<semaphore_mem>>) src(%arg8 : memref<125x128xf32, #tpu.memory_space<vmem>>) dst(%dma_wait3A_87 : memref<10240x128xf32, #tpu.memory_space<vmem_shared>>)
      %dma_wait3A_88 = arith.constant 0 : i32
      %dma_wait3A_89 = tpu.memref_slice %arg7[%add3A_75, %dma_wait3A_88] : memref<40x125xi32, #tpu.memory_space<vmem>> -> memref<1x125xi32, #tpu.memory_space<vmem>>
      %dma_wait3A_90 = tpu.memref_squeeze %dma_wait3A_89 : memref<1x125xi32, #tpu.memory_space<vmem>> -> memref<125xi32, #tpu.memory_space<vmem>>
      %dma_wait3A_91 = arith.constant 0 : i32
      %dma_wait3A_92 = arith.constant 0 : i32
      %dma_wait3A_93 = tpu.memref_slice %arg10[%dma_wait3A_91, %dma_wait3A_92] : memref<10240x128xf32, #tpu.memory_space<vmem_shared>> -> memref<10240x128xf32, #tpu.memory_space<vmem_shared>>
      tpu.wait_indirect_dma semaphore(%arg14 : memref<!tpu.dma_semaphore, #tpu.memory_space<semaphore_mem>>) src(%arg9 : memref<125x128xf32, #tpu.memory_space<vmem>>) dst(%dma_wait3A_93 : memref<10240x128xf32, #tpu.memory_space<vmem_shared>>)
    }
    %scan3A_39 = arith.constant 20 : i32
    %barrier3A_40 = arith.constant 0 : index
    tpu.barrier barrier_id(%barrier3A_40)
    "tpu.region"() ({
      %run_scoped3A = tpu.sem_alloc : memref<!tpu.dma_semaphore, #tpu.memory_space<semaphore_mem>>
      %dma_start3A = arith.constant 0 : i32
      %dma_start3A_41 = tpu.memref_slice %arg5[%arg0, %mul3A_7, %dma_start3A] : memref<2x10240x128xf32, #tpu.memory_space<hbm>> -> memref<1x640x128xf32, #tpu.memory_space<hbm>>
      %dma_start3A_42 = tpu.memref_squeeze %dma_start3A_41 : memref<1x640x128xf32, #tpu.memory_space<hbm>> -> memref<640x128xf32, #tpu.memory_space<hbm>>
      %dma_start3A_43 = arith.constant 0 : i32
      %dma_start3A_44 = tpu.memref_slice %arg10[%mul3A_7, %dma_start3A_43] : memref<10240x128xf32, #tpu.memory_space<vmem_shared>> -> memref<640x128xf32, #tpu.memory_space<vmem_shared>>
      tpu.enqueue_dma source(%dma_start3A_44 : memref<640x128xf32, #tpu.memory_space<vmem_shared>>) target(%dma_start3A_42 : memref<640x128xf32, #tpu.memory_space<hbm>>) target_semaphore(%run_scoped3A : memref<!tpu.dma_semaphore, #tpu.memory_space<semaphore_mem>>)
      %dma_wait3A = arith.constant 0 : i32
      %dma_wait3A_45 = tpu.memref_slice %arg5[%arg0, %mul3A_7, %dma_wait3A] : memref<2x10240x128xf32, #tpu.memory_space<hbm>> -> memref<1x640x128xf32, #tpu.memory_space<hbm>>
      %dma_wait3A_46 = tpu.memref_squeeze %dma_wait3A_45 : memref<1x640x128xf32, #tpu.memory_space<hbm>> -> memref<640x128xf32, #tpu.memory_space<hbm>>
      %dma_wait3A_47 = arith.constant 0 : i32
      %dma_wait3A_48 = tpu.memref_slice %arg10[%mul3A_7, %dma_wait3A_47] : memref<10240x128xf32, #tpu.memory_space<vmem_shared>> -> memref<640x128xf32, #tpu.memory_space<vmem_shared>>
      tpu.wait_dma2 semaphore(%run_scoped3A : memref<!tpu.dma_semaphore, #tpu.memory_space<semaphore_mem>>) src(%dma_wait3A_48 : memref<640x128xf32, #tpu.memory_space<vmem_shared>>) dst(%dma_wait3A_46 : memref<640x128xf32, #tpu.memory_space<hbm>>)
      tpu.yield
    }) : () -> ()
    return
  }
}

module attributes {stable_mosaic.version = 14 : i64} {
  func.func @_merge_mm_body(%arg0: i32, %arg1: memref<2x1000x128xf32, #tpu.memory_space<vmem>>, %arg2: memref<128x128xf32, #tpu.memory_space<vmem>>, %arg3: memref<1000x128xf32, #tpu.memory_space<vmem>>) attributes {dimension_semantics = [#tpu.dimension_semantics<arbitrary>], iteration_bounds = array<i64: 10>, scalar_prefetch = 0 : i64, scratch_operands = 0 : i64, tpu.core_type = #tpu.core_type<tc>, window_params = [{transform_indices = @transform_0, window_bounds = array<i64: 2, 1000, 128>}, {pipeline_mode = #tpu.pipeline_mode<synchronous>, transform_indices = @transform_1, window_bounds = array<i64: 128, 128>}, {transform_indices = @transform_2, window_bounds = array<i64: 1000, 128>}]} {
    %get3A = arith.constant 0 : index
    %get3A_0 = arith.constant 0 : index
    %get3A_1 = arith.constant 0 : index
    %get3A_2 = vector.load %arg1[%get3A, %get3A_0, %get3A_1] : memref<2x1000x128xf32, #tpu.memory_space<vmem>>, vector<1x1000x128xf32>
    %get3A_3 = vector.shape_cast %get3A_2 : vector<1x1000x128xf32> to vector<1000x128xf32>
    %get3A_4 = arith.constant 1 : index
    %get3A_5 = arith.constant 0 : index
    %get3A_6 = arith.constant 0 : index
    %get3A_7 = vector.load %arg1[%get3A_4, %get3A_5, %get3A_6] : memref<2x1000x128xf32, #tpu.memory_space<vmem>>, vector<1x1000x128xf32>
    %get3A_8 = vector.shape_cast %get3A_7 : vector<1x1000x128xf32> to vector<1000x128xf32>
    %add3A = arith.addf %get3A_3, %get3A_8 : vector<1000x128xf32>
    %get3A_9 = arith.constant 0 : index
    %get3A_10 = arith.constant 0 : index
    %get3A_11 = vector.load %arg2[%get3A_9, %get3A_10] : memref<128x128xf32, #tpu.memory_space<vmem>>, vector<128x128xf32>
    %dot_general3A = arith.constant dense<0.000000e+00> : vector<1000x128xf32>
    %dot_general3A_12 = tpu.matmul %add3A, %get3A_11, %dot_general3A {dimension_numbers = #tpu.dot_dimension_numbers<[1], [0], [0], [1], [0, 0, 1, 1], [], []>, transpose_lhs_hint = false} : vector<1000x128xf32>, vector<128x128xf32>, vector<1000x128xf32> -> vector<1000x128xf32>
    %max3A = arith.constant 0.000000e+00 : f32
    %max3A_13 = vector.broadcast %max3A : f32 to vector<1000x128xf32>
    %max3A_14 = arith.maximumf %dot_general3A_12, %max3A_13 : vector<1000x128xf32>
    %swap3A = arith.constant 0 : index
    %swap3A_15 = arith.constant 0 : index
    %swap3A_16 = vector.load %arg3[%swap3A, %swap3A_15] : memref<1000x128xf32, #tpu.memory_space<vmem>>, vector<1000x128xf32>
    tpu.vector_store %arg3[%swap3A, %swap3A_15], %max3A_14 {strides = array<i32>} : memref<1000x128xf32, #tpu.memory_space<vmem>>, vector<1000x128xf32>,
    return
  }
  func.func @transform_0(%arg0: i32) -> (i32, i32, i32) {
    %c0_i32 = arith.constant 0 : i32
    %c0_i32_0 = arith.constant 0 : i32
    %c0_i32_1 = arith.constant 0 : i32
    return %c0_i32, %arg0, %c0_i32_0 : i32, i32, i32
  }
  func.func @transform_1(%arg0: i32) -> (i32, i32) {
    %c0_i32 = arith.constant 0 : i32
    %c0_i32_0 = arith.constant 0 : i32
    %c0_i32_1 = arith.constant 0 : i32
    return %c0_i32, %c0_i32_0 : i32, i32
  }
  func.func @transform_2(%arg0: i32) -> (i32, i32) {
    %c0_i32 = arith.constant 0 : i32
    %c0_i32_0 = arith.constant 0 : i32
    return %arg0, %c0_i32 : i32, i32
  }
}

</mosaic_0001>

<sc_bundles>
// kernel: kernel.4.cloned.1.call-start
scs
__scs_entry_jumppad:
0x0: {  	(pc) =	sbr.rel $0x88, $3  }
0x1: {  	(tag) =	ssettag $0x0;
	lr =	simm.s32 $0x1  }
0x2: {  	[smem:$0x3F9E] =	sst lr;
	_ =	strace $0xD0000000  }
0x3: {  	_ = 	snop  }
0x4: {  	_ = 	snop  }
0x5: {  	_ = 	snop  }
0x6: {  	_ = 	snop  }
0x7: {  	_ = 	snop  }
__scs_overlays_trampoline_lowered:
0x8: {  	[smem:$0x3FAD] =	sst s0  }
0x9: {  	[smem:$0x3FAE] =	sst s1  }
0xa: {  	[smem:$0x3FAF] =	sst s2  }
0xb: {  	[smem:$0x3FB0] =	sst s3  }
0xc: {  	[smem:$0x3FB1] =	sst s4  }
0xd: {  	[smem:$0x3FB2] =	sst s5  }
0xe: {  	[smem:$0x3FB3] =	sst s6  }
0xf: {  	[smem:$0x3FB4] =	sst s7  }
0x10: {  	[smem:$0x3FB5] =	sst s8  }
0x11: {  	[smem:$0x3FB6] =	sst s9;
	s0 =	simm.s32 @!p0 $0x0  }
0x12: {  	s1 =	sld [smem:$0x3F9C];
	s0 =	simm.s32 @p0 $0x1  }
0x13: {  	[smem:$0x3FB7] =	sst s0;
	s0 =	simm.s32 @!p1 $0x0  }
0x14: {  	s2 =	sld [smem:$0x3F9B];
	s0 =	simm.s32 @p1 $0x1  }
0x15: {  	[smem:$0x3FB8] =	sst s0;
	s0 =	simm.s32 @!p2 $0x0  }
0x16: {  	s3 =	sld [smem:$0x3FDB];
	s0 =	simm.s32 @p2 $0x1  }
0x17: {  	s4 =	simm.s32 $0x1BF5;
	[smem:$0x3FBA] =	sst s0  }
0x18: {  	s0 =	sld [smem:$0x3F9D];
	_ =	swait.ge [sflag:s4], $0x0  }
0x19: {  	s7 =	sld [smem:$0x3F9E]  }
0x1a: {  	s8 =	sadd.s32 $0xFFFFE003, lr  }
0x1b: {  	s9 =	sadd.s32 $0xFFFFFEF7, lr;
	s5 =	simm.s32 $0xFFFFFFFF;
	p2 =	slt.u32 s8, $0xFFFFF086  }
0x1c: {  	p1 =	slt.u32 s9, $0xF7A;
	s5 =	simm.s32 @!p2 $0x0  }
0x1d: {  	s5 =	simm.s32 @p1 $0x1;
	p0 =	seq.s32 s7, s2  }
0x1e: {  	s7 =	smul.u32 @!p0 $0xF7A, s2;
	p2 =	seq.s32 @!p0 s5, $0x0  }
0x1f: {  	s9 =	smul.u32 $0xF7A, s1;
	s8 =	simm.s32 @!p0 $0x1BF5;
	p2 =	por !p2, p0  }
0x20: {  	[sflag:s8] =	ssyncset.s32 @!p0 $0xFFFFF086;
	s6 =	sadd.s32 @!p0 s3, s7;
	s7 =	simm.s32 @!p0 $0x108  }
0x21: {  	s3 =	sadd.s32 s3, s9;
	s6 =	sadd.s32 @!p0 $0x88, s6;
	s7 =	simm.s32 @p2 $0x1082  }
0x22: {  	[simem:s7], [sflag:s8] =	dma.local @!p0 [hbm:s6], $0xF7A  }
0x23: {  	s9 =	sor.u32 $0xD0000000, s2;
	s6 =	simm.s32 $0x108;
	_ =	swait.ge @!p0 [sflag:s8], $0x0  }
0x24: {  	s3 =	sadd.s32 $0x88, s3;
	s6 =	simm.s32 @!p1 $0x1082;
	[sflag:s4] =	ssyncset.s32 $0xFFFFF086  }
0x25: {  	[simem:s6], [sflag:s4] =	dma.local [hbm:s3], $0xF7A  }
0x26: {  	[smem:$0x3F9E] =	sst s1;
	(tag) =	ssettag s2;
	_ =	strace s9  }
0x27: {  	s1 =	sld [smem:$0x3FAE]  }
0x28: {  	s2 =	sld [smem:$0x3FAF]  }
0x29: {  	s4 =	sld [smem:$0x3FB1]  }
0x2a: {  	p0 =	seq.s32 s5, $0x0;
	s5 =	sld [smem:$0x3FB2]  }
0x2b: {  	s6 =	sld [smem:$0x3FB3]  }
0x2c: {  	s7 =	sld [smem:$0x3FB4]  }
0x2d: {  	s3 =	simm.s32 $0x108;
	s8 =	sld [smem:$0x3FB5]  }
0x2e: {  	s3 =	simm.s32 @!p0 $0x1082;
	s9 =	sld [smem:$0x3FB6]  }
0x2f: {  	lr =	sadd.s32 s0, s3;
	s0 =	sld [smem:$0x3FAD]  }
0x30: {  	s3 =	sld [smem:$0x3FB0]  }
0x31: {  	[smem:$0x3FB9] =	sst s10  }
0x32: {  	s10 =	sld [smem:$0x3FB7];
	_ =	sdelay $0x3  }
0x33: {  	p0 =	seq.s32 s10, $0x1;
	s10 =	sld [smem:$0x3FB9];
	_ =	sdelay $0x3  }
0x34: {  	[smem:$0x3FB9] =	sst s10  }
0x35: {  	s10 =	sld [smem:$0x3FB8];
	_ =	sdelay $0x3  }
0x36: {  	p1 =	seq.s32 s10, $0x1;
	s10 =	sld [smem:$0x3FB9];
	_ =	sdelay $0x3  }
0x37: {  	[smem:$0x3FB9] =	sst s10  }
0x38: {  	s10 =	sld [smem:$0x3FBA]  }
0x39: {  	_ = 	snop;
	(pc) =	sbr.ind lr, $3  }
0x3a: {  	_ = 	snop  }
0x3b: {  	_ = 	snop  }
0x3c: {  	p2 =	seq.s32 s10, $0x1;
	s10 =	sld [smem:$0x3FB9]  }
0x3d: {  	_ =	shalt  }
0x3e: {  	_ =	shalt  }
0x3f: {  	_ =	shalt  }
0x40: {  	_ =	shalt  }
0x41: {  	_ =	shalt  }
0x42: {  	_ =	shalt  }
0x43: {  	_ =	shalt  }
0x44: {  	_ =	shalt  }
0x45: {  	_ =	shalt  }
0x46: {  	_ =	shalt  }
0x47: {  	_ =	shalt  }
0x48: {  	_ =	shalt  }
0x49: {  	_ =	shalt  }
0x4a: {  	_ =	shalt  }
0x4b: {  	_ =	shalt  }
0x4c: {  	_ =	shalt  }
0x4d: {  	_ =	shalt  }
0x4e: {  	_ =	shalt  }
0x4f: {  	_ =	shalt  }
0x50: {  	_ =	shalt  }
0x51: {  	_ =	shalt  }
0x52: {  	_ =	shalt  }
0x53: {  	_ =	shalt  }
0x54: {  	_ =	shalt  }
0x55: {  	_ =	shalt  }
0x56: {  	_ =	shalt  }
0x57: {  	_ =	shalt  }
0x58: {  	_ =	shalt  }
0x59: {  	_ =	shalt  }
0x5a: {  	_ =	shalt  }
0x5b: {  	_ =	shalt  }
0x5c: {  	_ =	shalt  }
0x5d: {  	_ =	shalt  }
0x5e: {  	_ =	shalt  }
0x5f: {  	_ =	shalt  }
0x60: {  	_ =	shalt  }
0x61: {  	_ =	shalt  }
0x62: {  	_ =	shalt  }
0x63: {  	_ =	shalt  }
0x64: {  	_ =	shalt  }
0x65: {  	_ =	shalt  }
0x66: {  	_ =	shalt  }
0x67: {  	_ =	shalt  }
0x68: {  	_ =	shalt  }
0x69: {  	_ =	shalt  }
0x6a: {  	_ =	shalt  }
0x6b: {  	_ =	shalt  }
0x6c: {  	_ =	shalt  }
0x6d: {  	_ =	shalt  }
0x6e: {  	_ =	shalt  }
0x6f: {  	_ =	shalt  }
0x70: {  	_ =	shalt  }
0x71: {  	_ =	shalt  }
0x72: {  	_ =	shalt  }
0x73: {  	_ =	shalt  }
0x74: {  	_ =	shalt  }
0x75: {  	_ =	shalt  }
0x76: {  	_ =	shalt  }
0x77: {  	_ =	shalt  }
0x78: {  	_ =	shalt  }
0x79: {  	_ =	shalt  }
0x7a: {  	_ =	shalt  }
0x7b: {  	_ =	shalt  }
0x7c: {  	_ =	shalt  }
0x7d: {  	_ =	shalt  }
0x7e: {  	_ =	shalt  }
0x7f: {  	_ =	shalt  }
0x80: {  	_ =	shalt  }
0x81: {  	_ =	shalt  }
0x82: {  	_ =	shalt  }
0x83: {  	_ =	shalt  }
0x84: {  	_ =	shalt  }
0x85: {  	_ =	shalt  }
0x86: {  	_ =	shalt  }
0x87: {  	_ =	shalt  }
.Lfunc_end0:
.L_simem_size_0:
called_computation_lowered:
.L_overlay_start_0:
0x88: {  	s2 =	sld [smem:$0x3FD9]  }
0x89: {  	s3 =	sld [smem:$0x3FFE];
	_ =	sdelay $0x1  }
0x8a: {  	s1 =	srdreg.scid  }
0x8b: {  	s0 =	sand.u32 $0x1, s1  }
0x8c: {  	s17 =	sshll.u32 s0, $0xA;
	s2 =	sadd.s32 s3, s2  }
0x8d: {  	s2 =	sadd.s32 s2, s17  }
0x8e: {  	[smem:$0x3FC5] =	sst s2  }
0x8f: {  	_ = 	snop  }
0x90: {  	s2 =	sld [smem:$0x3FC9]  }
0x91: {  	s18 =	sld [smem:$0x3FD0];
	(tm) =	ssettm $0x1  }
0x92: {  	s4 =	sld [smem:$0x3FFB];
	_ =	sdelay $0x3  }
0x93: {  	_ =	strace s4  }
0x94: {  	s4 =	sld [smem:$0x3FFC];
	_ =	sdelay $0x3  }
0x95: {  	_ =	strace s4  }
0x96: {  	s4 =	sld [smem:$0x3FFD];
	_ =	sdelay $0x3  }
0x97: {  	_ =	strace s4  }
0x98: {  	_ =	strace $0x8FFFFFFF  }
0x99: {  	s19 =	sld [smem:$0x3FDB];
	_ =	sdelay $0x1  }
0x9a: {  	s5 =	simm.s32 $_scs_section_size  }
0x9b: {  	s6 =	simm.s32 $_size__tile_overlayer_lowered;
	s7 =	simm.s32 $_tile_overlayer_lowered  }
0x9c: {  	s22 =	simm.s32 $0x1BFF;
	s21 =	sshll.u32 s7, $0x1;
	s4 =	sadd.s32 s5, s19  }
0x9d: {  	s8 =	simm.s32 $0x0;
	s20 =	sshll.u32 s6, $0x1;
	s6 =	sadd.s32 s21, s4  }
0x9e: {  	[timem:s8], [sflag:s22] =	dma.local [hbm:s6], s20  }
0x9f: {  	_ =	swait.ge [sflag:s22], s20  }
0xa0: {  	s5 =	ssub.s32 $0x0, s20;
	[sflag:s22] =	ssyncset.done $0x0  }
0xa1: {  	[sflag:s22] =	ssyncadd.s32 s5;
	_ =	sdelay $0x1  }
0xa2: {  	s23 =	simm.s32 $0x1B8B  }
0xa3: {  	_ =	swait.ge [sflag:s23], $0x1  }
0xa4: {  	[sflag:s23] =	ssyncset.done $0x0  }
0xa5: {  	s25 =	simm.s32 $0x1B8E;
	s24 =	sld [smem:$0x3FFE];
	[sflag:s23] =	ssyncadd.s32 $0xFFFFFFFF  }
0xa6: {  	s26 =	simm.s32 $execute0_lowered;
	[smem:$0x3FD2] =	sst s25  }
0xa7: {  	s6 =	sshll.u32 s26, $0x1;
	_ =	strace $0x80000046;
	[dreg:$0x1] =	wrdreg $0xFFFFFFFF  }
0xa8: {  	s28 =	simm.s32 $_size_execute0_lowered;
	s4 =	sadd.s32 s4, s6;
	[dreg:$0x0] =	wrdreg $0x0  }
0xa9: {  	s6 =	sshll.u32 s28, $0x1;
	[dreg:$0x2] =	wrdreg s4  }
0xaa: {  	[dreg:$0x3] =	wrdreg s6  }
0xab: {  	[dreg:$0x4] =	wrdreg $0xC0  }
0xac: {  	_ =	task [dreg:s8], $0x5FFFF  }
0xad: {  	[dreg:$0x1] =	wrdreg $0xFFFFFFFF  }
0xae: {  	[dreg:$0x0] =	wrdreg $0x60  }
0xaf: {  	[dreg:$0x2] =	wrdreg s2  }
0xb0: {  	[dreg:$0x3] =	wrdreg s18  }
0xb1: {  	[dreg:$0x4] =	wrdreg s24  }
0xb2: {  	[dreg:$0x5] =	wrdreg $0xA8000  }
0xb3: {  	[dreg:$0x6] =	wrdreg $0x9  }
0xb4: {  	_ =	task.clear_ibuf [dreg:s8], $0x7FFFF;
	_ =	strace $0x90000046  }
0xb5: {  	s29 =	simm.s32 $0x9;
	_ =	strace $0x80000048  }
0xb6: {  	_ =	swait.ge [sflag:s29], $0x1  }
0xb7: {  	[sflag:s29] =	ssyncadd.s32 $0xFFFFFFFF  }
0xb8: {  	_ =	strace $0x90000048  }
0xb9: {  	_ =	sfence  }
0xba: {  	s30 =	sld [smem:$0x0];
	_ =	sdelay $0x2  }
0xbb: {  	s31 =	sshll.u32 s1, $0xD;
	s1 =	sshrl.u32 s1, $0x2  }
0xbc: {  	s3 =	sand.u32 $0x4000, s31;
	s1 =	sadd.s32 s1, s30  }
0xbd: {  	s0 =	sor.u32 s3, s0;
	s1 =	sshll.u32 s1, $0x11  }
0xbe: {  	s0 =	sor.u32 s1, s0  }
0xbf: {  	s0 =	sadd.s32 $0x8F2B, s0  }
0xc0: {  	[sflag:s0] =	ssyncadd.remote.s32 $0x1  }
0xc1: {  	_ =	sfence.sel $0xFFFF  }
0xc2: {  	[dreg:$0x0] =	wrdreg $0xFFFFFFFF;
	(pc) =	sbr.abs _section_cstart, $3  }
0xc3: {  	[dreg:$0x1] =	wrdreg $0xFFFFFFFF  }
0xc4: {  	_ =	task.clear_ibuf [dreg:s8], $0x2FFFF;
	_ =	strace $0x9FFFFFFF  }
0xc5: {  	(tm) =	ssettm $0x7FFFFFFF  }
tec
execute0_lowered:
.L_overlay_start_1:
0x0: {  	(tag) =	ssettag $0x1  }
0x1: {  	s0 =	rddreg [dreg:$0x0]  }
0x2: {  	s1 =	rddreg [dreg:$0x1]  }
0x3: {  	s2 =	srdreg.scid;
	s4 =	rddreg [dreg:$0x2]  }
0x4: {  	s8 =	stileid.u32;
	s3 =	rddreg [dreg:$0x3];
	s7 =	simm.s32 $0x0  }
0x5: {  	s21 =	simm.s32 $0x2800;
	s28 =	simm.s32 $0x2;
	s29 =	simm.s32 $0x3  }
0x6: {  	s30 =	simm.s32 $0x4;
	s31 =	simm.s32 $0x0;
	s6 =	smul.u32 $0x14000, s8  }
0x7: {  	s2 =	sand.u32 $0x1, s2;
	[smem:$0x7FF] =	sst s7;
	s22 =	smul.u32 $0x50000, s8  }
0x8: {  	s5 =	smul.u32 $0x140000, s2;
	_ =	strace $0x80000047;
	s23 =	ssub.s32 $0x2, s2  }
0x9: {  	s2 =	sshll.u32 s2, $0x4;
	s24 =	sshrl.u32 s22, $0x2;
	s25 =	sshrl.u32 s23, $0x1  }
0xa: {  	s2 =	sor.u32 s8, s2;
	s22 =	simm.s32 $0x5;
	s5 =	sadd.s32 s6, s5  }
0xb: {  	s20 =	ssub.s32 s23, s25;
	s2 =	smul.u32 $0x2800, s2;
	s23 =	simm.s32 $0x1400  }
0xc: {  	s25 =	simm.s32 $0x6800;
	s5 =	sshrl.u32 s5, $0x3;
	s20 =	smax.u32 s20, $0x1  }
0xd: {  	s19 =	sadd.s32 s5, s4;
	s5 =	sadd.s32 s24, s3;
	s2 =	sshrl.u32 s2, $0x3  }
0xe: {  	s24 =	simm.s32 $0x7D;
	s26 =	sadd.s32 $0x2000, s5;
	s7 =	sadd.s32 $0x4000, s5  }
0xf: {  	s8 =	sadd.s32 $0x6000, s5;
	s9 =	sadd.s32 $0x8000, s5;
	s10 =	sadd.s32 $0xA000, s5  }
0x10: {  	s11 =	sadd.s32 $0xC000, s5;
	s12 =	sadd.s32 $0xE000, s5;
	s13 =	sadd.s32 $0x10000, s5  }
0x11: {  	s14 =	sadd.s32 $0x12000, s5;
	s15 =	sadd.s32 s1, s2;
	s18 =	sadd.s32 $0x280, s2  }
0x12: {  	s16 =	sadd.s32 s4, s2;
	s19 =	sadd.s32 $0xA000, s19;
	[dreg:$0x5] =	wrdreg s26  }
0x13: {  	v0 =	vimm.f32 $0.0e+00;
	s17 =	sadd.s32 s1, s18;
	s18 =	sadd.s32 s4, s18;
	s26 =	simm.s32 $0x1  }
.LBB2_1:
0x14: {  	s2 =	simm.s32 $0x0  }
0x15: {  	s1 =	sand.u32 $0x7E00, s2  }
0x16: {  	s4 =	sand.u32 $0x70, s2;
	s1 =	sshrl.u32 s1, $0x2  }
0x17: {  	s2 =	simm.s32 $0x40;
	s4 =	sor.u32 s4, s1;
	s1 =	simm.s32 $0x0  }
.LBB2_2:
0x18: {  	p0 =	sne.s32 s2, $0x7FC0  }
0x19: {  	[tilespmem:s4+$0x2800] =	vst v0;
	s1 =	sadd.s32 $0x10, s1;
	s4 =	smov.u32 s2;
	s2 =	sadd.s32 $0x40, s2  }
.Ltmp0:
0x1a: {  	(pc) =	sbr.rel @p0 .LBB2_2-.Ltmp0, $4  }
0x1b: {  	_ = 	snop  }
0x1c: {  	s4 =	sand.u32 $0x7E00, s4  }
0x1d: {  	s6 =	sand.u32 $0x70, s1;
	s4 =	sshrl.u32 s4, $0x2  }
0x1e: {  	s4 =	sor.u32 s6, s4  }
0x1f: {  	[tilespmem:s4+$0x2800] =	vst v0  }
0x20: {  	[spmem:s5] =	stream.linear.scatter [tilespmem:s21], [sflag:$0x5], $0x2000, $0x38;
	[tilespmem:$0x1E800] =	vst v63  }
0x21: {  	_ =	swait.ge [sflag:s22], $0x2000  }
0x22: {  	[sflag:s22] =	ssyncset.done $0x0  }
0x23: {  	s1 =	rddreg [dreg:$0x5];
	[sflag:s22] =	ssyncadd.s32 $0xFFFFE000  }
0x24: {  	[spmem:s1] =	stream.linear.scatter [tilespmem:s21], [sflag:$0x5], $0x2000, $0x38;
	[tilespmem:$0x1E800] =	vst v63  }
0x25: {  	_ =	swait.ge [sflag:s22], $0x2000  }
0x26: {  	[sflag:s22] =	ssyncset.done $0x0  }
0x27: {  	[sflag:s22] =	ssyncadd.s32 $0xFFFFE000  }
0x28: {  	[spmem:s7] =	stream.linear.scatter [tilespmem:s21], [sflag:$0x5], $0x2000, $0x38;
	[tilespmem:$0x1E800] =	vst v63  }
0x29: {  	_ =	swait.ge [sflag:s22], $0x2000  }
0x2a: {  	[sflag:s22] =	ssyncset.done $0x0  }
0x2b: {  	[sflag:s22] =	ssyncadd.s32 $0xFFFFE000  }
0x2c: {  	[spmem:s8] =	stream.linear.scatter [tilespmem:s21], [sflag:$0x5], $0x2000, $0x38;
	[tilespmem:$0x1E800] =	vst v63  }
0x2d: {  	_ =	swait.ge [sflag:s22], $0x2000  }
0x2e: {  	[sflag:s22] =	ssyncset.done $0x0  }
0x2f: {  	[sflag:s22] =	ssyncadd.s32 $0xFFFFE000  }
0x30: {  	[spmem:s9] =	stream.linear.scatter [tilespmem:s21], [sflag:$0x5], $0x2000, $0x38;
	[tilespmem:$0x1E800] =	vst v63  }
0x31: {  	_ =	swait.ge [sflag:s22], $0x2000  }
0x32: {  	[sflag:s22] =	ssyncset.done $0x0  }
0x33: {  	[sflag:s22] =	ssyncadd.s32 $0xFFFFE000  }
0x34: {  	[spmem:s10] =	stream.linear.scatter [tilespmem:s21], [sflag:$0x5], $0x2000, $0x38;
	[tilespmem:$0x1E800] =	vst v63  }
0x35: {  	_ =	swait.ge [sflag:s22], $0x2000  }
0x36: {  	[sflag:s22] =	ssyncset.done $0x0  }
0x37: {  	[sflag:s22] =	ssyncadd.s32 $0xFFFFE000  }
0x38: {  	[spmem:s11] =	stream.linear.scatter [tilespmem:s21], [sflag:$0x5], $0x2000, $0x38;
	[tilespmem:$0x1E800] =	vst v63  }
0x39: {  	_ =	swait.ge [sflag:s22], $0x2000  }
0x3a: {  	[sflag:s22] =	ssyncset.done $0x0  }
0x3b: {  	[sflag:s22] =	ssyncadd.s32 $0xFFFFE000  }
0x3c: {  	[spmem:s12] =	stream.linear.scatter [tilespmem:s21], [sflag:$0x5], $0x2000, $0x38;
	[tilespmem:$0x1E800] =	vst v63  }
0x3d: {  	_ =	swait.ge [sflag:s22], $0x2000  }
0x3e: {  	[sflag:s22] =	ssyncset.done $0x0  }
0x3f: {  	[sflag:s22] =	ssyncadd.s32 $0xFFFFE000  }
0x40: {  	[spmem:s13] =	stream.linear.scatter [tilespmem:s21], [sflag:$0x5], $0x2000, $0x38;
	[tilespmem:$0x1E800] =	vst v63  }
0x41: {  	_ =	swait.ge [sflag:s22], $0x2000  }
0x42: {  	[sflag:s22] =	ssyncset.done $0x0  }
0x43: {  	[sflag:s22] =	ssyncadd.s32 $0xFFFFE000  }
0x44: {  	[spmem:s14] =	stream.linear.scatter [tilespmem:s21], [sflag:$0x5], $0x2000, $0x38;
	[tilespmem:$0x1E800] =	vst v63  }
0x45: {  	_ =	swait.ge [sflag:s22], $0x2000  }
0x46: {  	[sflag:s22] =	ssyncset.done $0x0  }
0x47: {  	[sflag:s22] =	ssyncadd.s32 $0xFFFFE000  }
0x48: {  	s4 =	simm.s32 $0x0;
	[bflag:$0x0] =	sbarrier.arrive $0xFFFF  }
0x49: {  	[tilespmem:s4], [sflag:$0x5] =	stream.linear.gather [hbm4b:s15+s4], $0x1400, $0x38;
	[tilespmem:$0x1E800] =	vst v63  }
0x4a: {  	_ =	swait.ge [sflag:s22], $0x1400  }
0x4b: {  	[sflag:s22] =	ssyncset.done $0x0  }
0x4c: {  	[sflag:s22] =	ssyncadd.s32 $0xFFFFEC00  }
0x4d: {  	[tilespmem:s23], [sflag:$0x5] =	stream.linear.gather [hbm4b:s16+s4], $0x1400, $0x38;
	[tilespmem:$0x1E800] =	vst v63  }
0x4e: {  	_ =	swait.ge [sflag:s22], $0x1400  }
0x4f: {  	[sflag:s22] =	ssyncset.done $0x0  }
0x50: {  	s6 =	simm.s32 $0x0;
	[sflag:s22] =	ssyncadd.s32 $0xFFFFEC00  }
0x51: {  	[tilespmem:s21], [sflag:$0x1] =	stream.indirect.gather [hbm4b:s0+s24], $0x80, s6, s24, $0xb8;
	[tilespmem:$0x1E800] =	vst v63  }
0x52: {  	s2 =	simm.s32 $0x80  }
0x53: {  	[tilespmem:s25], [sflag:$0x2] =	stream.indirect.gather [hbm4b:s0+s24], $0x80, s2, s24, $0xb8;
	[tilespmem:$0x1E800] =	vst v63  }
0x54: {  	_ =	swait.ge [sflag:s26], $0x3E80  }
0x55: {  	[sflag:s26] =	ssyncset.done $0x0  }
0x56: {  	s4 =	simm.s32 $0x1400;
	[sflag:s26] =	ssyncadd.s32 $0xFFFFC180  }
0x57: {  	[spmem:s3] =	stream.indirect.scatter.add.f32 [tilespmem:s21], [sflag:$0x3], $0x80, s4, s24, $0xb8;
	[tilespmem:$0x1E800] =	vst v63  }
0x58: {  	_ =	swait.ge [sflag:s28], $0x3E80  }
0x59: {  	[sflag:s28] =	ssyncset.done $0x0  }
0x5a: {  	s6 =	simm.s32 $0x1480;
	[sflag:s28] =	ssyncadd.s32 $0xFFFFC180  }
0x5b: {  	[spmem:s3] =	stream.indirect.scatter.add.f32 [tilespmem:s25], [sflag:$0x4], $0x80, s6, s24, $0xb8;
	[tilespmem:$0x1E800] =	vst v63  }
0x5c: {  	_ =	swait.ge [sflag:s29], $0x3E80  }
0x5d: {  	[sflag:s29] =	ssyncset.done $0x0  }
0x5e: {  	[sflag:s29] =	ssyncadd.s32 $0xFFFFC180  }
0x5f: {  	_ =	swait.ge [sflag:s30], $0x3E80  }
0x60: {  	s1 =	simm.s32 $0x800;
	s2 =	simm.s32 $0x400;
	[sflag:s30] =	ssyncset.done $0x0  }
.LBB2_4:
0x61: {  	s4 =	sshra.s32 s2, $0x2  }
0x62: {  	[sflag:s30] =	ssyncadd.s32 $0xFFFFC180;
	s2 =	smov.u32 s1;
	s6 =	sadd.s32 $0x400, s1  }
0x63: {  	[tilespmem:s21], [sflag:$0x1] =	stream.indirect.gather [hbm4b:s0+s24], $0x80, s4, s24, $0xb8;
	[tilespmem:$0x1E800] =	vst v63  }
0x64: {  	p0 =	sne.s32 s1, $0x4C00;
	s1 =	sadd.s32 $0x80, s4  }
0x65: {  	[tilespmem:s25], [sflag:$0x2] =	stream.indirect.gather [hbm4b:s0+s24], $0x80, s1, s24, $0xb8;
	[tilespmem:$0x1E800] =	vst v63  }
0x66: {  	_ =	swait.ge [sflag:s26], $0x3E80  }
0x67: {  	[sflag:s26] =	ssyncset.done $0x0  }
0x68: {  	s1 =	sadd.s32 $0x1400, s4;
	[sflag:s26] =	ssyncadd.s32 $0xFFFFC180  }
0x69: {  	[spmem:s3] =	stream.indirect.scatter.add.f32 [tilespmem:s21], [sflag:$0x3], $0x80, s1, s24, $0xb8;
	[tilespmem:$0x1E800] =	vst v63  }
0x6a: {  	_ =	swait.ge [sflag:s28], $0x3E80  }
0x6b: {  	[sflag:s28] =	ssyncset.done $0x0  }
0x6c: {  	s1 =	sadd.s32 $0x1480, s4;
	[sflag:s28] =	ssyncadd.s32 $0xFFFFC180  }
0x6d: {  	[spmem:s3] =	stream.indirect.scatter.add.f32 [tilespmem:s25], [sflag:$0x4], $0x80, s1, s24, $0xb8;
	[tilespmem:$0x1E800] =	vst v63  }
.Ltmp1:
0x6e: {  	_ =	swait.ge [sflag:s29], $0x3E80;
	(pc) =	sbr.rel @p0 .LBB2_4-.Ltmp1, $4  }
0x6f: {  	[sflag:s29] =	ssyncset.done $0x0  }
0x70: {  	[sflag:s29] =	ssyncadd.s32 $0xFFFFC180  }
0x71: {  	_ =	swait.ge [sflag:s30], $0x3E80  }
0x72: {  	s1 =	smov.u32 s6;
	[sflag:s30] =	ssyncset.done $0x0  }
0x73: {  	s1 =	sshra.s32 s2, $0x2;
	[sflag:s30] =	ssyncadd.s32 $0xFFFFC180  }
0x74: {  	[tilespmem:s21], [sflag:$0x1] =	stream.indirect.gather [hbm4b:s0+s24], $0x80, s1, s24, $0xb8;
	[tilespmem:$0x1E800] =	vst v63  }
0x75: {  	s2 =	sadd.s32 $0x80, s1  }
0x76: {  	[tilespmem:s25], [sflag:$0x2] =	stream.indirect.gather [hbm4b:s0+s24], $0x80, s2, s24, $0xb8;
	[tilespmem:$0x1E800] =	vst v63  }
0x77: {  	_ =	swait.ge [sflag:s26], $0x3E80  }
0x78: {  	[sflag:s26] =	ssyncset.done $0x0  }
0x79: {  	s6 =	sadd.s32 $0x1400, s1;
	[sflag:s26] =	ssyncadd.s32 $0xFFFFC180  }
0x7a: {  	[spmem:s3] =	stream.indirect.scatter.add.f32 [tilespmem:s21], [sflag:$0x3], $0x80, s6, s24, $0xb8;
	[tilespmem:$0x1E800] =	vst v63  }
0x7b: {  	_ =	swait.ge [sflag:s28], $0x3E80  }
0x7c: {  	[sflag:s28] =	ssyncset.done $0x0  }
0x7d: {  	s1 =	sadd.s32 $0x1480, s1;
	[sflag:s28] =	ssyncadd.s32 $0xFFFFC180  }
0x7e: {  	[spmem:s3] =	stream.indirect.scatter.add.f32 [tilespmem:s25], [sflag:$0x4], $0x80, s1, s24, $0xb8;
	[tilespmem:$0x1E800] =	vst v63  }
0x7f: {  	_ =	swait.ge [sflag:s29], $0x3E80  }
0x80: {  	[sflag:s29] =	ssyncset.done $0x0  }
0x81: {  	[sflag:s29] =	ssyncadd.s32 $0xFFFFC180  }
0x82: {  	_ =	swait.ge [sflag:s30], $0x3E80  }
0x83: {  	[sflag:s30] =	ssyncset.done $0x0  }
0x84: {  	s4 =	simm.s32 $0x0;
	[sflag:s30] =	ssyncadd.s32 $0xFFFFC180  }
0x85: {  	[tilespmem:s4], [sflag:$0x5] =	stream.linear.gather [hbm4b:s17+s4], $0x1400, $0x38;
	[tilespmem:$0x1E800] =	vst v63  }
0x86: {  	_ =	swait.ge [sflag:s22], $0x1400  }
0x87: {  	[sflag:s22] =	ssyncset.done $0x0  }
0x88: {  	[sflag:s22] =	ssyncadd.s32 $0xFFFFEC00  }
0x89: {  	[tilespmem:s23], [sflag:$0x5] =	stream.linear.gather [hbm4b:s18+s4], $0x1400, $0x38;
	[tilespmem:$0x1E800] =	vst v63  }
0x8a: {  	_ =	swait.ge [sflag:s22], $0x1400  }
0x8b: {  	[sflag:s22] =	ssyncset.done $0x0  }
0x8c: {  	s6 =	simm.s32 $0x0;
	[sflag:s22] =	ssyncadd.s32 $0xFFFFEC00  }
0x8d: {  	[tilespmem:s21], [sflag:$0x1] =	stream.indirect.gather [hbm4b:s0+s24], $0x80, s6, s24, $0xb8;
	[tilespmem:$0x1E800] =	vst v63  }
0x8e: {  	s2 =	simm.s32 $0x80  }
0x8f: {  	[tilespmem:s25], [sflag:$0x2] =	stream.indirect.gather [hbm4b:s0+s24], $0x80, s2, s24, $0xb8;
	[tilespmem:$0x1E800] =	vst v63  }
0x90: {  	_ =	swait.ge [sflag:s26], $0x3E80  }
0x91: {  	[sflag:s26] =	ssyncset.done $0x0  }
0x92: {  	s4 =	simm.s32 $0x1400;
	[sflag:s26] =	ssyncadd.s32 $0xFFFFC180  }
0x93: {  	[spmem:s3] =	stream.indirect.scatter.add.f32 [tilespmem:s21], [sflag:$0x3], $0x80, s4, s24, $0xb8;
	[tilespmem:$0x1E800] =	vst v63  }
0x94: {  	_ =	swait.ge [sflag:s28], $0x3E80  }
0x95: {  	[sflag:s28] =	ssyncset.done $0x0  }
0x96: {  	s6 =	simm.s32 $0x1480;
	[sflag:s28] =	ssyncadd.s32 $0xFFFFC180  }
0x97: {  	[spmem:s3] =	stream.indirect.scatter.add.f32 [tilespmem:s25], [sflag:$0x4], $0x80, s6, s24, $0xb8;
	[tilespmem:$0x1E800] =	vst v63  }
0x98: {  	_ =	swait.ge [sflag:s29], $0x3E80  }
0x99: {  	[sflag:s29] =	ssyncset.done $0x0  }
0x9a: {  	[sflag:s29] =	ssyncadd.s32 $0xFFFFC180  }
0x9b: {  	_ =	swait.ge [sflag:s30], $0x3E80  }
0x9c: {  	s1 =	simm.s32 $0x800;
	s2 =	simm.s32 $0x400;
	[sflag:s30] =	ssyncset.done $0x0  }
.LBB2_6:
0x9d: {  	s4 =	sshra.s32 s2, $0x2  }
0x9e: {  	[sflag:s30] =	ssyncadd.s32 $0xFFFFC180;
	s2 =	smov.u32 s1;
	s6 =	sadd.s32 $0x400, s1  }
0x9f: {  	[tilespmem:s21], [sflag:$0x1] =	stream.indirect.gather [hbm4b:s0+s24], $0x80, s4, s24, $0xb8;
	[tilespmem:$0x1E800] =	vst v63  }
0xa0: {  	p0 =	sne.s32 s1, $0x4C00;
	s1 =	sadd.s32 $0x80, s4  }
0xa1: {  	[tilespmem:s25], [sflag:$0x2] =	stream.indirect.gather [hbm4b:s0+s24], $0x80, s1, s24, $0xb8;
	[tilespmem:$0x1E800] =	vst v63  }
0xa2: {  	_ =	swait.ge [sflag:s26], $0x3E80  }
0xa3: {  	[sflag:s26] =	ssyncset.done $0x0  }
0xa4: {  	s1 =	sadd.s32 $0x1400, s4;
	[sflag:s26] =	ssyncadd.s32 $0xFFFFC180  }
0xa5: {  	[spmem:s3] =	stream.indirect.scatter.add.f32 [tilespmem:s21], [sflag:$0x3], $0x80, s1, s24, $0xb8;
	[tilespmem:$0x1E800] =	vst v63  }
0xa6: {  	_ =	swait.ge [sflag:s28], $0x3E80  }
0xa7: {  	[sflag:s28] =	ssyncset.done $0x0  }
0xa8: {  	s1 =	sadd.s32 $0x1480, s4;
	[sflag:s28] =	ssyncadd.s32 $0xFFFFC180  }
0xa9: {  	[spmem:s3] =	stream.indirect.scatter.add.f32 [tilespmem:s25], [sflag:$0x4], $0x80, s1, s24, $0xb8;
	[tilespmem:$0x1E800] =	vst v63  }
.Ltmp2:
0xaa: {  	_ =	swait.ge [sflag:s29], $0x3E80;
	(pc) =	sbr.rel @p0 .LBB2_6-.Ltmp2, $4  }
0xab: {  	[sflag:s29] =	ssyncset.done $0x0  }
0xac: {  	[sflag:s29] =	ssyncadd.s32 $0xFFFFC180  }
0xad: {  	_ =	swait.ge [sflag:s30], $0x3E80  }
0xae: {  	s1 =	smov.u32 s6;
	[sflag:s30] =	ssyncset.done $0x0  }
0xaf: {  	s1 =	sshra.s32 s2, $0x2;
	[sflag:s30] =	ssyncadd.s32 $0xFFFFC180  }
0xb0: {  	[tilespmem:s21], [sflag:$0x1] =	stream.indirect.gather [hbm4b:s0+s24], $0x80, s1, s24, $0xb8;
	[tilespmem:$0x1E800] =	vst v63  }
0xb1: {  	s2 =	sadd.s32 $0x80, s1  }
0xb2: {  	[tilespmem:s25], [sflag:$0x2] =	stream.indirect.gather [hbm4b:s0+s24], $0x80, s2, s24, $0xb8;
	[tilespmem:$0x1E800] =	vst v63  }
0xb3: {  	_ =	swait.ge [sflag:s26], $0x3E80  }
0xb4: {  	[sflag:s26] =	ssyncset.done $0x0  }
0xb5: {  	s6 =	sadd.s32 $0x1400, s1;
	[sflag:s26] =	ssyncadd.s32 $0xFFFFC180  }
0xb6: {  	[spmem:s3] =	stream.indirect.scatter.add.f32 [tilespmem:s21], [sflag:$0x3], $0x80, s6, s24, $0xb8;
	[tilespmem:$0x1E800] =	vst v63  }
0xb7: {  	_ =	swait.ge [sflag:s28], $0x3E80  }
0xb8: {  	[sflag:s28] =	ssyncset.done $0x0  }
0xb9: {  	s1 =	sadd.s32 $0x1480, s1;
	[sflag:s28] =	ssyncadd.s32 $0xFFFFC180  }
0xba: {  	[spmem:s3] =	stream.indirect.scatter.add.f32 [tilespmem:s25], [sflag:$0x4], $0x80, s1, s24, $0xb8;
	[tilespmem:$0x1E800] =	vst v63  }
0xbb: {  	_ =	swait.ge [sflag:s29], $0x3E80  }
0xbc: {  	[sflag:s29] =	ssyncset.done $0x0  }
0xbd: {  	[sflag:s29] =	ssyncadd.s32 $0xFFFFC180  }
0xbe: {  	s31 =	sadd.s32 $0x1, s31;
	_ =	swait.ge [sflag:s30], $0x3E80  }
0xbf: {  	s4 =	stileid.u32;
	p0 =	sne.s32 s31, s20;
	[sflag:s30] =	ssyncset.done $0x0  }
0xc0: {  	s6 =	sshrl.u32 s5, $0x3;
	s1 =	sshll.u32 s4, $0x6;
	[sflag:s30] =	ssyncadd.s32 $0xFFFFC180  }
.Ltmp3:
0xc1: {  	s1 =	sor.u32 $0x1C05, s1;
	[bflag:$0x0] =	sbarrier.arrive $0xFFFF;
	(pc) =	sbr.rel @p0 .LBB2_1-.Ltmp3, $4  }
0xc2: {  	[hbm:s19], [sflag:s1] =	dma.local [spmem:s6], $0x2800  }
0xc3: {  	_ =	swait.ge [sflag:s22], $0x2800  }
0xc4: {  	[sflag:s22] =	ssyncset.done $0x0  }
0xc5: {  	[sflag:s22] =	ssyncadd.s32 $0xFFFFD800  }
0xc6: {  	_ =	sfence.sel $0x180000  }
0xc7: {  	[bflag:$0x0] =	sbarrier.arrive $0xFFFF  }
0xc8: {  	_ =	strace $0x90000047  }
0xc9: {  	s0 =	stileid.u32;
	[bflag:$0x2] =	sbarrier.arrive $0xFFFF  }
0xca: {  	p0 =	sne.s32 s0, $0x0;
	s0 =	rddreg [dreg:$0x4]  }
0xcb: {  	s0 =	sadd.s32 @!p0 $0x100000, s0  }
0xcc: {  	[sflag:s0] =	ssyncadd.tile.s32 @!p0 $0x1;
	_ =	shalt  }
.Lfunc_end2:
_tile_overlayer_lowered:
.L_overlay_start_2:
0xcd: {  	(tag) =	ssettag $0x2  }
0xce: {  	s0 =	rddreg [dreg:$0x0];
	s2 =	stileid.u32  }
0xcf: {  	s1 =	rddreg [dreg:$0x1];
	p0 =	sne.s32 s2, $0x0  }
0xd0: {  	s3 =	rddreg [dreg:$0x2];
	[bflag:$0x3] =	sbarrier.arrive $0xFFFF;
	s2 =	simm.s32 @!p0 $0x1C05  }
0xd1: {  	[timem:s3], [sflag:s2] =	dma.local @!p0 [hbm:s0], s1  }
0xd2: {  	s0 =	simm.s32 @!p0 $0x5  }
0xd3: {  	_ =	swait.ge @!p0 [sflag:s0], s1  }
0xd4: {  	s1 =	ssub.s32 @!p0 $0x0, s1;
	[sflag:s0] =	ssyncset.done @!p0 $0x0  }
0xd5: {  	[sflag:s0] =	ssyncadd.s32 @!p0 s1  }
0xd6: {  	[bflag:$0x3] =	sbarrier.arrive $0xFFFF  }
0xd7: {  	_ =	shalt  }

</sc_bundles>
